<compile_context>
chip_gen: v7x
topology: tpu7x:2x2x1
jax: 0.10.2.dev20260603
libtpu: 0.0.44.dev20260713+nightly
codegen_flags: <defaults>
</compile_context>

<pallas_src>
import functools

import jax
import jax.numpy as jnp
from jax import lax
from jax.experimental import pallas as pl
from jax.experimental.pallas import tpu as pltpu
from jax.experimental.pallas import tpu_sc as plsc

N = 10000
E = 320000
D = 128
DH = D // 2

NC = 2
NS = 16
NW = NC * NS
EPW = E // NW
EPS = E // NS
CHUNK = 125
NCHUNK = EPS // CHUNK
NPAD = 10240
RPW = NPAD // NS
RCH = 128
LANES = 16

_mesh = plsc.VectorSubcoreMesh(
    core_axis_name="c", subcore_axis_name="s", num_cores=NC, num_subcores=NS
)


def _deg_body(src_hbm, dst_hbm, hist_out, src_v, dst_v, hs_v, hd_v):
    c = lax.axis_index("c")
    s = lax.axis_index("s")
    w = c * NS + s
    pltpu.sync_copy(src_hbm.at[w], src_v)
    pltpu.sync_copy(dst_hbm.at[w], dst_v)
    zero = jnp.zeros((LANES,), jnp.float32)

    @pl.loop(0, NPAD // LANES)
    def _zero(i):
        hs_v[pl.ds(i * LANES, LANES)] = zero
        hd_v[pl.ds(i * LANES, LANES)] = zero

    one = jnp.ones((LANES,), jnp.float32)

    @pl.loop(0, EPW // LANES)
    def _accum(i):
        si = src_v[pl.ds(i * LANES, LANES)]
        di = dst_v[pl.ds(i * LANES, LANES)]
        plsc.addupdate_scatter(hs_v, [si], one)
        plsc.addupdate_scatter(hd_v, [di], one)

    pltpu.sync_copy(hs_v, hist_out.at[w, 0])
    pltpu.sync_copy(hd_v, hist_out.at[w, 1])


_deg_call = pl.kernel(
    _deg_body,
    out_type=jax.ShapeDtypeStruct((NW, 2, NPAD), jnp.float32),
    mesh=_mesh,
    compiler_params=pltpu.CompilerParams(needs_layout_passes=False),
    scratch_types=[
        pltpu.VMEM((EPW,), jnp.int32),
        pltpu.VMEM((EPW,), jnp.int32),
        pltpu.VMEM((NPAD,), jnp.float32),
        pltpu.VMEM((NPAD,), jnp.float32),
    ],
)


NBUF = 2


def _scatter_body(msg0_hbm, msg1_hbm, srcw_hbm, dstw_hbm, parts_out,
                  src_v, dst_v, rows0_v, rows1_v, rows2_v, rows3_v,
                  stage_v, acc_sh,
                  gsem0, gsem1, gsem2, gsem3, ssem0, ssem1, ssem2, ssem3):
    rows = (rows0_v, rows1_v, rows2_v, rows3_v)
    gsem = (gsem0, gsem1, gsem2, gsem3)
    ssem = (ssem0, ssem1, ssem2, ssem3)
    c = lax.axis_index("c")
    s = lax.axis_index("s")
    pltpu.sync_copy(srcw_hbm.at[s], src_v)
    pltpu.sync_copy(dstw_hbm.at[s], dst_v)

    zero = jnp.zeros((LANES,), jnp.float32)

    @pl.loop(0, RCH)
    def _zrow(i):
        @pl.loop(0, DH // LANES)
        def _zcol(k):
            stage_v[i, pl.ds(k * LANES, LANES)] = zero

    for k in range(RPW // RCH):
        pltpu.sync_copy(stage_v, acc_sh.at[pl.ds(s * RPW + k * RCH, RCH)])
    plsc.subcore_barrier()

    def _edge_loop(msg_hbm):
        for b in range(NBUF):
            pltpu.async_copy(msg_hbm.at[src_v.at[b]], rows[b], gsem[b])

        @pl.loop(0, NCHUNK // NBUF)
        def _edge_chunk(kk):
            j = kk * NBUF
            for b in range(NBUF):
                pltpu.make_async_copy(msg_hbm.at[src_v.at[j + b]], rows[b],
                                      gsem[b]).wait()
                pltpu.sync_copy(rows[b], acc_sh.at[dst_v.at[j + b]],
                                add=True)
                pltpu.async_copy(msg_hbm.at[src_v.at[j + NBUF + b]],
                                 rows[b], gsem[b])

        for b in range(NBUF):
            pltpu.make_async_copy(msg_hbm.at[src_v.at[NCHUNK + b]], rows[b],
                                  gsem[b]).wait()

    @pl.when(c == 0)
    def _core0():
        _edge_loop(msg0_hbm)

    @pl.when(c == 1)
    def _core1():
        _edge_loop(msg1_hbm)

    plsc.subcore_barrier()
    for k in range(RPW // RCH):
        pltpu.sync_copy(acc_sh.at[pl.ds(s * RPW + k * RCH, RCH)], stage_v)
        pltpu.sync_copy(stage_v, parts_out.at[c, pl.ds(s * RPW + k * RCH, RCH)])


_scatter_call = pl.kernel(
    _scatter_body,
    out_type=jax.ShapeDtypeStruct((NC, NPAD, DH), jnp.float32),
    mesh=_mesh,
    compiler_params=pltpu.CompilerParams(
        needs_layout_passes=False, use_tc_tiling_on_sc=False
    ),
    scratch_types=[
        pltpu.VMEM((NCHUNK + NBUF, CHUNK), jnp.int32),
        pltpu.VMEM((NCHUNK, CHUNK), jnp.int32),
        pltpu.VMEM((CHUNK, DH), jnp.float32),
        pltpu.VMEM((CHUNK, DH), jnp.float32),
        pltpu.VMEM((CHUNK, DH), jnp.float32),
        pltpu.VMEM((CHUNK, DH), jnp.float32),
        pltpu.VMEM((RCH, DH), jnp.float32),
        pltpu.VMEM_SHARED((NPAD, DH), jnp.float32),
    ] + [pltpu.SemaphoreType.DMA] * 8,
)


def _msg_body(x_ref, wn_ref, bn_ref, we_ref, be_ref, hist_ref,
              out0_ref, out1_ref):
    out_deg = jnp.sum(hist_ref[:, 0, :N], axis=0)
    scale = lax.rsqrt(jnp.maximum(out_deg, 1.0))
    h = jnp.dot(x_ref[...], wn_ref[...], preferred_element_type=jnp.float32)
    h = h + bn_ref[...]
    m = jnp.dot(h, we_ref[...], preferred_element_type=jnp.float32)
    m = m + be_ref[...]
    m = m * scale[:, None]
    out0_ref[...] = m[:, :DH]
    out1_ref[...] = m[:, DH:]


_msg_call = pl.pallas_call(
    _msg_body,
    out_shape=(
        jax.ShapeDtypeStruct((N, DH), jnp.float32),
        jax.ShapeDtypeStruct((N, DH), jnp.float32),
    ),
)


def _out_body(parts_ref, hist_ref, wo_ref, bo_ref, out_ref):
    in_deg = jnp.sum(hist_ref[:, 1, :N], axis=0)
    nrm = lax.rsqrt(jnp.maximum(in_deg, 1.0))
    upd = jnp.concatenate([parts_ref[0, :N, :], parts_ref[1, :N, :]], axis=1)
    upd = upd * nrm[:, None]
    z = jnp.dot(upd, wo_ref[...], preferred_element_type=jnp.float32)
    z = z + bo_ref[...]
    out_ref[...] = z * 0.5 * (1.0 + lax.erf(z * (2.0 ** -0.5)))


_out_call = pl.pallas_call(
    _out_body,
    out_shape=jax.ShapeDtypeStruct((N, D), jnp.float32),
)


def kernel(x, edge_index, W_node, b_node, W_edge, b_edge, W_out, b_out):
    src = edge_index[0].astype(jnp.int32)
    dst = edge_index[1].astype(jnp.int32)

    hist = _deg_call(src.reshape(NW, EPW), dst.reshape(NW, EPW))

    msg0, msg1 = _msg_call(x, W_node, b_node.reshape(1, D), W_edge,
                           b_edge.reshape(1, D), hist)

    srcw = jnp.pad(src.reshape(NS, NCHUNK, CHUNK),
                   ((0, 0), (0, NBUF), (0, 0)))
    dstw = dst.reshape(NS, NCHUNK, CHUNK)
    parts = _scatter_call(msg0, msg1, srcw, dstw)

    return _out_call(parts, hist, W_out, b_out.reshape(1, D))

# --- scband reference (transcript-rebuilt; emitter-appended) ---
"""Pipeline reference for scband-convolution-layer-22445499089013 (READ-ONLY COPY).

The authoritative reference and input builder live on the scoring server;
editing this copy changes nothing except your own understanding.
"""

import jax, jax.numpy as jnp
import numpy as np

N = 10000
E = 320000
D = 128


def setup_inputs(seed: int = 0) -> dict:
    key = jax.random.key(seed)
    ks = jax.random.split(key, 8)
    x = jax.random.normal(ks[0], (N, D), dtype=jnp.float32)
    edge_index = jax.random.randint(ks[1], (2, E), 0, N)
    s = 1.0 / np.sqrt(D)
    W_node = jax.random.normal(ks[2], (D, D), dtype=jnp.float32) * s
    b_node = jnp.zeros((D,), dtype=jnp.float32)
    W_edge = jax.random.normal(ks[3], (D, D), dtype=jnp.float32) * s
    b_edge = jnp.zeros((D,), dtype=jnp.float32)
    W_out = jax.random.normal(ks[4], (D, D), dtype=jnp.float32) * s
    b_out = jnp.zeros((D,), dtype=jnp.float32)
    return {
        "x": x,
        "edge_index": edge_index,
        "W_node": W_node,
        "b_node": b_node,
        "W_edge": W_edge,
        "b_edge": b_edge,
        "W_out": W_out,
        "b_out": b_out,
    }


def reference(x, edge_index, W_node, b_node, W_edge, b_edge, W_out, b_out):
    # Homogeneous instantiation of the hetero conv: one node type, one edge type.
    src = edge_index[0]
    dst = edge_index[1]
    # node_transforms[src](feat)
    src_feat = x @ W_node + b_node
    # edge_transforms[edge](src_feat)
    messages = src_feat @ W_edge + b_edge
    # normalize == 'out_in_degree'
    out_deg = jnp.clip(jnp.bincount(src, length=N), 1, None).astype(jnp.float32)
    in_deg = jnp.clip(jnp.bincount(dst, length=N), 1, None).astype(jnp.float32)
    messages = messages * (out_deg ** -0.5)[:, None]
    norm = in_deg ** -0.5
    # u_mul_v(messages, norm) then sum-reduce to dst (multi_update_all, cross_reducer='sum')
    edge_msgs = messages[src] * norm[dst][:, None]
    update = jax.ops.segment_sum(edge_msgs, dst, num_segments=N)
    # out_transforms: Linear + GELU (torch nn.GELU is exact erf form)
    out = jax.nn.gelu(update @ W_out + b_out, approximate=False)
    return out

if __name__ == "__main__":
    import jax
    _d = setup_inputs()
    print(jax.jit(kernel)(*tuple(_d.values())))

</pallas_src>

<mosaic_0001>
#map = affine_map<(d0, d1) -> (0, 0)>
#map1 = affine_map<(d0, d1) -> (0, 0, 0)>
module attributes {stable_mosaic.version = 14 : i64} {
  func.func @_deg_body(%arg0: i32, %arg1: i32, %arg2: memref<32x10000xi32, #tpu.memory_space<hbm>>, %arg3: memref<32x10000xi32, #tpu.memory_space<hbm>>, %arg4: memref<32x2x10240xf32, #tpu.memory_space<hbm>>, %arg5: memref<10000xi32, #tpu.memory_space<vmem>>, %arg6: memref<10000xi32, #tpu.memory_space<vmem>>, %arg7: memref<10240xf32, #tpu.memory_space<vmem>>, %arg8: memref<10240xf32, #tpu.memory_space<vmem>>) attributes {dimension_semantics = [#tpu.dimension_semantics<core_parallel>, #tpu.dimension_semantics<subcore_parallel>], iteration_bounds = array<i64: 2, 16>, scalar_prefetch = 0 : i64, scratch_operands = 4 : i64, tpu.core_type = #tpu.core_type<sc_vector_subcore>, window_params = [{transform_indices = #map}, {transform_indices = #map}, {transform_indices = #map1}]} {
    %mul3A = arith.constant 16 : i32
    %mul3A_0 = arith.muli %arg0, %mul3A : i32
    %add3A = arith.addi %mul3A_0, %arg1 : i32
    "tpu.region"() ({
      %run_scoped3A_14 = tpu.sem_alloc : memref<!tpu.dma_semaphore, #tpu.memory_space<semaphore_mem>>
      %dma_start3A = arith.constant 0 : i32
      %dma_start3A_15 = tpu.memref_slice %arg2[%add3A, %dma_start3A] : memref<32x10000xi32, #tpu.memory_space<hbm>> -> memref<1x10000xi32, #tpu.memory_space<hbm>>
      %dma_start3A_16 = tpu.memref_squeeze %dma_start3A_15 : memref<1x10000xi32, #tpu.memory_space<hbm>> -> memref<10000xi32, #tpu.memory_space<hbm>>
      %dma_start3A_17 = arith.constant 0 : i32
      %dma_start3A_18 = tpu.memref_slice %arg2[%add3A, %dma_start3A_17] : memref<32x10000xi32, #tpu.memory_space<hbm>> -> memref<1x10000xi32, #tpu.memory_space<hbm>>
      %dma_start3A_19 = tpu.memref_squeeze %dma_start3A_18 : memref<1x10000xi32, #tpu.memory_space<hbm>> -> memref<10000xi32, #tpu.memory_space<hbm>>
      tpu.enqueue_dma source(%dma_start3A_19 : memref<10000xi32, #tpu.memory_space<hbm>>) target(%arg5 : memref<10000xi32, #tpu.memory_space<vmem>>) target_semaphore(%run_scoped3A_14 : memref<!tpu.dma_semaphore, #tpu.memory_space<semaphore_mem>>)
      %dma_wait3A = arith.constant 0 : i32
      %dma_wait3A_20 = tpu.memref_slice %arg2[%add3A, %dma_wait3A] : memref<32x10000xi32, #tpu.memory_space<hbm>> -> memref<1x10000xi32, #tpu.memory_space<hbm>>
      %dma_wait3A_21 = tpu.memref_squeeze %dma_wait3A_20 : memref<1x10000xi32, #tpu.memory_space<hbm>> -> memref<10000xi32, #tpu.memory_space<hbm>>
      %dma_wait3A_22 = arith.constant 0 : i32
      %dma_wait3A_23 = tpu.memref_slice %arg2[%add3A, %dma_wait3A_22] : memref<32x10000xi32, #tpu.memory_space<hbm>> -> memref<1x10000xi32, #tpu.memory_space<hbm>>
      %dma_wait3A_24 = tpu.memref_squeeze %dma_wait3A_23 : memref<1x10000xi32, #tpu.memory_space<hbm>> -> memref<10000xi32, #tpu.memory_space<hbm>>
      tpu.wait_dma2 semaphore(%run_scoped3A_14 : memref<!tpu.dma_semaphore, #tpu.memory_space<semaphore_mem>>) src(%dma_wait3A_24 : memref<10000xi32, #tpu.memory_space<hbm>>) dst(%arg5 : memref<10000xi32, #tpu.memory_space<vmem>>)
      tpu.yield
    }) : () -> ()
    "tpu.region"() ({
      %run_scoped3A_14 = tpu.sem_alloc : memref<!tpu.dma_semaphore, #tpu.memory_space<semaphore_mem>>
      %dma_start3A = arith.constant 0 : i32
      %dma_start3A_15 = tpu.memref_slice %arg3[%add3A, %dma_start3A] : memref<32x10000xi32, #tpu.memory_space<hbm>> -> memref<1x10000xi32, #tpu.memory_space<hbm>>
      %dma_start3A_16 = tpu.memref_squeeze %dma_start3A_15 : memref<1x10000xi32, #tpu.memory_space<hbm>> -> memref<10000xi32, #tpu.memory_space<hbm>>
      %dma_start3A_17 = arith.constant 0 : i32
      %dma_start3A_18 = tpu.memref_slice %arg3[%add3A, %dma_start3A_17] : memref<32x10000xi32, #tpu.memory_space<hbm>> -> memref<1x10000xi32, #tpu.memory_space<hbm>>
      %dma_start3A_19 = tpu.memref_squeeze %dma_start3A_18 : memref<1x10000xi32, #tpu.memory_space<hbm>> -> memref<10000xi32, #tpu.memory_space<hbm>>
      tpu.enqueue_dma source(%dma_start3A_19 : memref<10000xi32, #tpu.memory_space<hbm>>) target(%arg6 : memref<10000xi32, #tpu.memory_space<vmem>>) target_semaphore(%run_scoped3A_14 : memref<!tpu.dma_semaphore, #tpu.memory_space<semaphore_mem>>)
      %dma_wait3A = arith.constant 0 : i32
      %dma_wait3A_20 = tpu.memref_slice %arg3[%add3A, %dma_wait3A] : memref<32x10000xi32, #tpu.memory_space<hbm>> -> memref<1x10000xi32, #tpu.memory_space<hbm>>
      %dma_wait3A_21 = tpu.memref_squeeze %dma_wait3A_20 : memref<1x10000xi32, #tpu.memory_space<hbm>> -> memref<10000xi32, #tpu.memory_space<hbm>>
      %dma_wait3A_22 = arith.constant 0 : i32
      %dma_wait3A_23 = tpu.memref_slice %arg3[%add3A, %dma_wait3A_22] : memref<32x10000xi32, #tpu.memory_space<hbm>> -> memref<1x10000xi32, #tpu.memory_space<hbm>>
      %dma_wait3A_24 = tpu.memref_squeeze %dma_wait3A_23 : memref<1x10000xi32, #tpu.memory_space<hbm>> -> memref<10000xi32, #tpu.memory_space<hbm>>
      tpu.wait_dma2 semaphore(%run_scoped3A_14 : memref<!tpu.dma_semaphore, #tpu.memory_space<semaphore_mem>>) src(%dma_wait3A_24 : memref<10000xi32, #tpu.memory_space<hbm>>) dst(%arg6 : memref<10000xi32, #tpu.memory_space<vmem>>)
      tpu.yield
    }) : () -> ()
    %broadcast_in_dim3A = arith.constant 0.000000e+00 : f32
    %broadcast_in_dim3A_1 = vector.broadcast %broadcast_in_dim3A : f32 to vector<16xf32>
    %scan3A = arith.constant 0 : i32
    %scan3A_2 = arith.constant 640 : i32
    %scan3A_3 = arith.addi %scan3A, %scan3A_2 : i32
    %scan3A_4 = arith.constant 1 : i32
    scf.for %scan3A_14 = %scan3A to %scan3A_3 step %scan3A_4  : i32 {
      %mul3A_15 = arith.constant 1 : i32
      %mul3A_16 = arith.muli %scan3A_14, %mul3A_15 : i32
      %add3A_17 = arith.constant 0 : i32
      %add3A_18 = arith.addi %add3A_17, %mul3A_16 : i32
      %mul3A_19 = arith.constant 16 : i32
      %mul3A_20 = arith.muli %add3A_18, %mul3A_19 : i32
      %swap3A = arith.index_cast %mul3A_20 : i32 to index
      %swap3A_21 = tpu.vector_load %arg7[%swap3A] {strides = array<i32>} : memref<10240xf32, #tpu.memory_space<vmem>>, vector<16xf32>,
      tpu.vector_store %arg7[%swap3A], %broadcast_in_dim3A_1 {strides = array<i32>} : memref<10240xf32, #tpu.memory_space<vmem>>, vector<16xf32>,
      %mul3A_22 = arith.constant 16 : i32
      %mul3A_23 = arith.muli %add3A_18, %mul3A_22 : i32
      %swap3A_24 = arith.index_cast %mul3A_23 : i32 to index
      %swap3A_25 = tpu.vector_load %arg8[%swap3A_24] {strides = array<i32>} : memref<10240xf32, #tpu.memory_space<vmem>>, vector<16xf32>,
      tpu.vector_store %arg8[%swap3A_24], %broadcast_in_dim3A_1 {strides = array<i32>} : memref<10240xf32, #tpu.memory_space<vmem>>, vector<16xf32>,
    }
    %scan3A_5 = arith.constant 640 : i32
    %broadcast_in_dim3A_6 = arith.constant 1.000000e+00 : f32
    %broadcast_in_dim3A_7 = vector.broadcast %broadcast_in_dim3A_6 : f32 to vector<16xf32>
    %scan3A_8 = arith.constant 0 : i32
    %scan3A_9 = arith.constant 625 : i32
    %scan3A_10 = arith.addi %scan3A_8, %scan3A_9 : i32
    %scan3A_11 = arith.constant 1 : i32
    scf.for %scan3A_14 = %scan3A_8 to %scan3A_10 step %scan3A_11  : i32 {
      %mul3A_15 = arith.constant 1 : i32
      %mul3A_16 = arith.muli %scan3A_14, %mul3A_15 : i32
      %add3A_17 = arith.constant 0 : i32
      %add3A_18 = arith.addi %add3A_17, %mul3A_16 : i32
      %mul3A_19 = arith.constant 16 : i32
      %mul3A_20 = arith.muli %add3A_18, %mul3A_19 : i32
      %get3A = arith.index_cast %mul3A_20 : i32 to index
      %get3A_21 = tpu.vector_load %arg5[%get3A] {strides = array<i32>} : memref<10000xi32, #tpu.memory_space<vmem>>, vector<16xi32>,
      %mul3A_22 = arith.constant 16 : i32
      %mul3A_23 = arith.muli %add3A_18, %mul3A_22 : i32
      %get3A_24 = arith.index_cast %mul3A_23 : i32 to index
      %get3A_25 = tpu.vector_load %arg6[%get3A_24] {strides = array<i32>} : memref<10000xi32, #tpu.memory_space<vmem>>, vector<16xi32>,
      tpu.vector_store_idx %arg7[%get3A_21], %broadcast_in_dim3A_7 {add = true} : memref<10240xf32, #tpu.memory_space<vmem>>[vector<16xi32>], vector<16xf32>,
      tpu.vector_store_idx %arg8[%get3A_25], %broadcast_in_dim3A_7 {add = true} : memref<10240xf32, #tpu.memory_space<vmem>>[vector<16xi32>], vector<16xf32>,
    }
    %scan3A_12 = arith.constant 625 : i32
    %run_scoped3A = arith.constant 0 : i32
    "tpu.region"() ({
      %run_scoped3A_14 = tpu.sem_alloc : memref<!tpu.dma_semaphore, #tpu.memory_space<semaphore_mem>>
      %dma_start3A = arith.constant 0 : i32
      %dma_start3A_15 = tpu.memref_slice %arg4[%add3A, %run_scoped3A, %dma_start3A] : memref<32x2x10240xf32, #tpu.memory_space<hbm>> -> memref<1x1x10240xf32, #tpu.memory_space<hbm>>
      %dma_start3A_16 = tpu.memref_squeeze %dma_start3A_15 : memref<1x1x10240xf32, #tpu.memory_space<hbm>> -> memref<10240xf32, #tpu.memory_space<hbm>>
      %dma_start3A_17 = arith.constant 0 : i32
      %dma_start3A_18 = tpu.memref_slice %arg4[%add3A, %run_scoped3A, %dma_start3A_17] : memref<32x2x10240xf32, #tpu.memory_space<hbm>> -> memref<1x1x10240xf32, #tpu.memory_space<hbm>>
      %dma_start3A_19 = tpu.memref_squeeze %dma_start3A_18 : memref<1x1x10240xf32, #tpu.memory_space<hbm>> -> memref<10240xf32, #tpu.memory_space<hbm>>
      tpu.enqueue_dma source(%arg7 : memref<10240xf32, #tpu.memory_space<vmem>>) target(%dma_start3A_19 : memref<10240xf32, #tpu.memory_space<hbm>>) target_semaphore(%run_scoped3A_14 : memref<!tpu.dma_semaphore, #tpu.memory_space<semaphore_mem>>)
      %dma_wait3A = arith.constant 0 : i32
      %dma_wait3A_20 = tpu.memref_slice %arg4[%add3A, %run_scoped3A, %dma_wait3A] : memref<32x2x10240xf32, #tpu.memory_space<hbm>> -> memref<1x1x10240xf32, #tpu.memory_space<hbm>>
      %dma_wait3A_21 = tpu.memref_squeeze %dma_wait3A_20 : memref<1x1x10240xf32, #tpu.memory_space<hbm>> -> memref<10240xf32, #tpu.memory_space<hbm>>
      %dma_wait3A_22 = arith.constant 0 : i32
      %dma_wait3A_23 = tpu.memref_slice %arg4[%add3A, %run_scoped3A, %dma_wait3A_22] : memref<32x2x10240xf32, #tpu.memory_space<hbm>> -> memref<1x1x10240xf32, #tpu.memory_space<hbm>>
      %dma_wait3A_24 = tpu.memref_squeeze %dma_wait3A_23 : memref<1x1x10240xf32, #tpu.memory_space<hbm>> -> memref<10240xf32, #tpu.memory_space<hbm>>
      tpu.wait_dma2 semaphore(%run_scoped3A_14 : memref<!tpu.dma_semaphore, #tpu.memory_space<semaphore_mem>>) src(%arg7 : memref<10240xf32, #tpu.memory_space<vmem>>) dst(%dma_wait3A_24 : memref<10240xf32, #tpu.memory_space<hbm>>)
      tpu.yield
    }) : () -> ()
    %run_scoped3A_13 = arith.constant 1 : i32
    "tpu.region"() ({
      %run_scoped3A_14 = tpu.sem_alloc : memref<!tpu.dma_semaphore, #tpu.memory_space<semaphore_mem>>
      %dma_start3A = arith.constant 0 : i32
      %dma_start3A_15 = tpu.memref_slice %arg4[%add3A, %run_scoped3A_13, %dma_start3A] : memref<32x2x10240xf32, #tpu.memory_space<hbm>> -> memref<1x1x10240xf32, #tpu.memory_space<hbm>>
      %dma_start3A_16 = tpu.memref_squeeze %dma_start3A_15 : memref<1x1x10240xf32, #tpu.memory_space<hbm>> -> memref<10240xf32, #tpu.memory_space<hbm>>
      %dma_start3A_17 = arith.constant 0 : i32
      %dma_start3A_18 = tpu.memref_slice %arg4[%add3A, %run_scoped3A_13, %dma_start3A_17] : memref<32x2x10240xf32, #tpu.memory_space<hbm>> -> memref<1x1x10240xf32, #tpu.memory_space<hbm>>
      %dma_start3A_19 = tpu.memref_squeeze %dma_start3A_18 : memref<1x1x10240xf32, #tpu.memory_space<hbm>> -> memref<10240xf32, #tpu.memory_space<hbm>>
      tpu.enqueue_dma source(%arg8 : memref<10240xf32, #tpu.memory_space<vmem>>) target(%dma_start3A_19 : memref<10240xf32, #tpu.memory_space<hbm>>) target_semaphore(%run_scoped3A_14 : memref<!tpu.dma_semaphore, #tpu.memory_space<semaphore_mem>>)
      %dma_wait3A = arith.constant 0 : i32
      %dma_wait3A_20 = tpu.memref_slice %arg4[%add3A, %run_scoped3A_13, %dma_wait3A] : memref<32x2x10240xf32, #tpu.memory_space<hbm>> -> memref<1x1x10240xf32, #tpu.memory_space<hbm>>
      %dma_wait3A_21 = tpu.memref_squeeze %dma_wait3A_20 : memref<1x1x10240xf32, #tpu.memory_space<hbm>> -> memref<10240xf32, #tpu.memory_space<hbm>>
      %dma_wait3A_22 = arith.constant 0 : i32
      %dma_wait3A_23 = tpu.memref_slice %arg4[%add3A, %run_scoped3A_13, %dma_wait3A_22] : memref<32x2x10240xf32, #tpu.memory_space<hbm>> -> memref<1x1x10240xf32, #tpu.memory_space<hbm>>
      %dma_wait3A_24 = tpu.memref_squeeze %dma_wait3A_23 : memref<1x1x10240xf32, #tpu.memory_space<hbm>> -> memref<10240xf32, #tpu.memory_space<hbm>>
      tpu.wait_dma2 semaphore(%run_scoped3A_14 : memref<!tpu.dma_semaphore, #tpu.memory_space<semaphore_mem>>) src(%arg8 : memref<10240xf32, #tpu.memory_space<vmem>>) dst(%dma_wait3A_24 : memref<10240xf32, #tpu.memory_space<hbm>>)
      tpu.yield
    }) : () -> ()
    return
  }
}

#map = affine_map<(d0, d1) -> (0, 0)>
#map1 = affine_map<(d0, d1) -> (0, 0, 0)>
module attributes {stable_mosaic.version = 14 : i64} {
  func.func @_scatter_body(%arg0: i32, %arg1: i32, %arg2: memref<10000x64xf32, #tpu.memory_space<hbm>>, %arg3: memref<10000x64xf32, #tpu.memory_space<hbm>>, %arg4: memref<16x162x125xi32, #tpu.memory_space<hbm>>, %arg5: memref<16x160x125xi32, #tpu.memory_space<hbm>>, %arg6: memref<2x10240x64xf32, #tpu.memory_space<hbm>>, %arg7: memref<162x125xi32, #tpu.memory_space<vmem>>, %arg8: memref<160x125xi32, #tpu.memory_space<vmem>>, %arg9: memref<125x64xf32, #tpu.memory_space<vmem>>, %arg10: memref<125x64xf32, #tpu.memory_space<vmem>>, %arg11: memref<125x64xf32, #tpu.memory_space<vmem>>, %arg12: memref<125x64xf32, #tpu.memory_space<vmem>>, %arg13: memref<128x64xf32, #tpu.memory_space<vmem>>, %arg14: memref<10240x64xf32, #tpu.memory_space<vmem_shared>>, %arg15: memref<!tpu.dma_semaphore, #tpu.memory_space<semaphore_mem>>, %arg16: memref<!tpu.dma_semaphore, #tpu.memory_space<semaphore_mem>>, %arg17: memref<!tpu.dma_semaphore, #tpu.memory_space<semaphore_mem>>, %arg18: memref<!tpu.dma_semaphore, #tpu.memory_space<semaphore_mem>>, %arg19: memref<!tpu.dma_semaphore, #tpu.memory_space<semaphore_mem>>, %arg20: memref<!tpu.dma_semaphore, #tpu.memory_space<semaphore_mem>>, %arg21: memref<!tpu.dma_semaphore, #tpu.memory_space<semaphore_mem>>, %arg22: memref<!tpu.dma_semaphore, #tpu.memory_space<semaphore_mem>>) attributes {dimension_semantics = [#tpu.dimension_semantics<core_parallel>, #tpu.dimension_semantics<subcore_parallel>], iteration_bounds = array<i64: 2, 16>, scalar_prefetch = 0 : i64, scratch_operands = 16 : i64, tpu.core_type = #tpu.core_type<sc_vector_subcore>, window_params = [{transform_indices = #map}, {transform_indices = #map}, {transform_indices = #map1}, {transform_indices = #map1}, {transform_indices = #map1}]} {
    "tpu.region"() ({
      %run_scoped3A = tpu.sem_alloc : memref<!tpu.dma_semaphore, #tpu.memory_space<semaphore_mem>>
      %dma_start3A = arith.constant 0 : i32
      %dma_start3A_71 = arith.constant 0 : i32
      %dma_start3A_72 = tpu.memref_slice %arg4[%arg1, %dma_start3A, %dma_start3A_71] : memref<16x162x125xi32, #tpu.memory_space<hbm>> -> memref<1x162x125xi32, #tpu.memory_space<hbm>>
      %dma_start3A_73 = tpu.memref_squeeze %dma_start3A_72 : memref<1x162x125xi32, #tpu.memory_space<hbm>> -> memref<162x125xi32, #tpu.memory_space<hbm>>
      %dma_start3A_74 = arith.constant 0 : i32
      %dma_start3A_75 = arith.constant 0 : i32
      %dma_start3A_76 = tpu.memref_slice %arg4[%arg1, %dma_start3A_74, %dma_start3A_75] : memref<16x162x125xi32, #tpu.memory_space<hbm>> -> memref<1x162x125xi32, #tpu.memory_space<hbm>>
      %dma_start3A_77 = tpu.memref_squeeze %dma_start3A_76 : memref<1x162x125xi32, #tpu.memory_space<hbm>> -> memref<162x125xi32, #tpu.memory_space<hbm>>
      tpu.enqueue_dma source(%dma_start3A_77 : memref<162x125xi32, #tpu.memory_space<hbm>>) target(%arg7 : memref<162x125xi32, #tpu.memory_space<vmem>>) target_semaphore(%run_scoped3A : memref<!tpu.dma_semaphore, #tpu.memory_space<semaphore_mem>>)
      %dma_wait3A = arith.constant 0 : i32
      %dma_wait3A_78 = arith.constant 0 : i32
      %dma_wait3A_79 = tpu.memref_slice %arg4[%arg1, %dma_wait3A, %dma_wait3A_78] : memref<16x162x125xi32, #tpu.memory_space<hbm>> -> memref<1x162x125xi32, #tpu.memory_space<hbm>>
      %dma_wait3A_80 = tpu.memref_squeeze %dma_wait3A_79 : memref<1x162x125xi32, #tpu.memory_space<hbm>> -> memref<162x125xi32, #tpu.memory_space<hbm>>
      %dma_wait3A_81 = arith.constant 0 : i32
      %dma_wait3A_82 = arith.constant 0 : i32
      %dma_wait3A_83 = tpu.memref_slice %arg4[%arg1, %dma_wait3A_81, %dma_wait3A_82] : memref<16x162x125xi32, #tpu.memory_space<hbm>> -> memref<1x162x125xi32, #tpu.memory_space<hbm>>
      %dma_wait3A_84 = tpu.memref_squeeze %dma_wait3A_83 : memref<1x162x125xi32, #tpu.memory_space<hbm>> -> memref<162x125xi32, #tpu.memory_space<hbm>>
      tpu.wait_dma2 semaphore(%run_scoped3A : memref<!tpu.dma_semaphore, #tpu.memory_space<semaphore_mem>>) src(%dma_wait3A_84 : memref<162x125xi32, #tpu.memory_space<hbm>>) dst(%arg7 : memref<162x125xi32, #tpu.memory_space<vmem>>)
      tpu.yield
    }) : () -> ()
    "tpu.region"() ({
      %run_scoped3A = tpu.sem_alloc : memref<!tpu.dma_semaphore, #tpu.memory_space<semaphore_mem>>
      %dma_start3A = arith.constant 0 : i32
      %dma_start3A_71 = arith.constant 0 : i32
      %dma_start3A_72 = tpu.memref_slice %arg5[%arg1, %dma_start3A, %dma_start3A_71] : memref<16x160x125xi32, #tpu.memory_space<hbm>> -> memref<1x160x125xi32, #tpu.memory_space<hbm>>
      %dma_start3A_73 = tpu.memref_squeeze %dma_start3A_72 : memref<1x160x125xi32, #tpu.memory_space<hbm>> -> memref<160x125xi32, #tpu.memory_space<hbm>>
      %dma_start3A_74 = arith.constant 0 : i32
      %dma_start3A_75 = arith.constant 0 : i32
      %dma_start3A_76 = tpu.memref_slice %arg5[%arg1, %dma_start3A_74, %dma_start3A_75] : memref<16x160x125xi32, #tpu.memory_space<hbm>> -> memref<1x160x125xi32, #tpu.memory_space<hbm>>
      %dma_start3A_77 = tpu.memref_squeeze %dma_start3A_76 : memref<1x160x125xi32, #tpu.memory_space<hbm>> -> memref<160x125xi32, #tpu.memory_space<hbm>>
      tpu.enqueue_dma source(%dma_start3A_77 : memref<160x125xi32, #tpu.memory_space<hbm>>) target(%arg8 : memref<160x125xi32, #tpu.memory_space<vmem>>) target_semaphore(%run_scoped3A : memref<!tpu.dma_semaphore, #tpu.memory_space<semaphore_mem>>)
      %dma_wait3A = arith.constant 0 : i32
      %dma_wait3A_78 = arith.constant 0 : i32
      %dma_wait3A_79 = tpu.memref_slice %arg5[%arg1, %dma_wait3A, %dma_wait3A_78] : memref<16x160x125xi32, #tpu.memory_space<hbm>> -> memref<1x160x125xi32, #tpu.memory_space<hbm>>
      %dma_wait3A_80 = tpu.memref_squeeze %dma_wait3A_79 : memref<1x160x125xi32, #tpu.memory_space<hbm>> -> memref<160x125xi32, #tpu.memory_space<hbm>>
      %dma_wait3A_81 = arith.constant 0 : i32
      %dma_wait3A_82 = arith.constant 0 : i32
      %dma_wait3A_83 = tpu.memref_slice %arg5[%arg1, %dma_wait3A_81, %dma_wait3A_82] : memref<16x160x125xi32, #tpu.memory_space<hbm>> -> memref<1x160x125xi32, #tpu.memory_space<hbm>>
      %dma_wait3A_84 = tpu.memref_squeeze %dma_wait3A_83 : memref<1x160x125xi32, #tpu.memory_space<hbm>> -> memref<160x125xi32, #tpu.memory_space<hbm>>
      tpu.wait_dma2 semaphore(%run_scoped3A : memref<!tpu.dma_semaphore, #tpu.memory_space<semaphore_mem>>) src(%dma_wait3A_84 : memref<160x125xi32, #tpu.memory_space<hbm>>) dst(%arg8 : memref<160x125xi32, #tpu.memory_space<vmem>>)
      tpu.yield
    }) : () -> ()
    %broadcast_in_dim3A = arith.constant 0.000000e+00 : f32
    %broadcast_in_dim3A_0 = vector.broadcast %broadcast_in_dim3A : f32 to vector<16xf32>
    %scan3A = arith.constant 0 : i32
    %scan3A_1 = arith.constant 128 : i32
    %scan3A_2 = arith.addi %scan3A, %scan3A_1 : i32
    %scan3A_3 = arith.constant 1 : i32
    scf.for %scan3A_71 = %scan3A to %scan3A_2 step %scan3A_3  : i32 {
      %mul3A_72 = arith.constant 1 : i32
      %mul3A_73 = arith.muli %scan3A_71, %mul3A_72 : i32
      %add3A_74 = arith.constant 0 : i32
      %add3A_75 = arith.addi %add3A_74, %mul3A_73 : i32
      %scan3A_76 = arith.constant 0 : i32
      %scan3A_77 = arith.constant 4 : i32
      %scan3A_78 = arith.addi %scan3A_76, %scan3A_77 : i32
      %scan3A_79 = arith.constant 1 : i32
      scf.for %scan3A_81 = %scan3A_76 to %scan3A_78 step %scan3A_79  : i32 {
        %mul3A_82 = arith.constant 1 : i32
        %mul3A_83 = arith.muli %scan3A_81, %mul3A_82 : i32
        %add3A_84 = arith.constant 0 : i32
        %add3A_85 = arith.addi %add3A_84, %mul3A_83 : i32
        %mul3A_86 = arith.constant 16 : i32
        %mul3A_87 = arith.muli %add3A_85, %mul3A_86 : i32
        %swap3A = arith.index_cast %add3A_75 : i32 to index
        %swap3A_88 = arith.index_cast %mul3A_87 : i32 to index
        %swap3A_89 = tpu.vector_load %arg13[%swap3A, %swap3A_88] {strides = array<i32>} : memref<128x64xf32, #tpu.memory_space<vmem>>, vector<16xf32>,
        tpu.vector_store %arg13[%swap3A, %swap3A_88], %broadcast_in_dim3A_0 {strides = array<i32>} : memref<128x64xf32, #tpu.memory_space<vmem>>, vector<16xf32>,
      }
      %scan3A_80 = arith.constant 4 : i32
    }
    %scan3A_4 = arith.constant 128 : i32
    %mul3A = arith.constant 640 : i32
    %mul3A_5 = arith.muli %arg1, %mul3A : i32
    %add3A = arith.constant 0 : i32
    %add3A_6 = arith.addi %mul3A_5, %add3A : i32
    "tpu.region"() ({
      %run_scoped3A = tpu.sem_alloc : memref<!tpu.dma_semaphore, #tpu.memory_space<semaphore_mem>>
      %dma_start3A = arith.constant 0 : i32
      %dma_start3A_71 = tpu.memref_slice %arg14[%add3A_6, %dma_start3A] : memref<10240x64xf32, #tpu.memory_space<vmem_shared>> -> memref<128x64xf32, #tpu.memory_space<vmem_shared>>
      %dma_start3A_72 = arith.constant 0 : i32
      %dma_start3A_73 = tpu.memref_slice %arg14[%add3A_6, %dma_start3A_72] : memref<10240x64xf32, #tpu.memory_space<vmem_shared>> -> memref<128x64xf32, #tpu.memory_space<vmem_shared>>
      tpu.enqueue_dma source(%arg13 : memref<128x64xf32, #tpu.memory_space<vmem>>) target(%dma_start3A_73 : memref<128x64xf32, #tpu.memory_space<vmem_shared>>) target_semaphore(%run_scoped3A : memref<!tpu.dma_semaphore, #tpu.memory_space<semaphore_mem>>)
      %dma_wait3A = arith.constant 0 : i32
      %dma_wait3A_74 = tpu.memref_slice %arg14[%add3A_6, %dma_wait3A] : memref<10240x64xf32, #tpu.memory_space<vmem_shared>> -> memref<128x64xf32, #tpu.memory_space<vmem_shared>>
      %dma_wait3A_75 = arith.constant 0 : i32
      %dma_wait3A_76 = tpu.memref_slice %arg14[%add3A_6, %dma_wait3A_75] : memref<10240x64xf32, #tpu.memory_space<vmem_shared>> -> memref<128x64xf32, #tpu.memory_space<vmem_shared>>
      tpu.wait_dma2 semaphore(%run_scoped3A : memref<!tpu.dma_semaphore, #tpu.memory_space<semaphore_mem>>) src(%arg13 : memref<128x64xf32, #tpu.memory_space<vmem>>) dst(%dma_wait3A_76 : memref<128x64xf32, #tpu.memory_space<vmem_shared>>)
      tpu.yield
    }) : () -> ()
    %mul3A_7 = arith.constant 640 : i32
    %mul3A_8 = arith.muli %arg1, %mul3A_7 : i32
    %add3A_9 = arith.constant 128 : i32
    %add3A_10 = arith.addi %mul3A_8, %add3A_9 : i32
    "tpu.region"() ({
      %run_scoped3A = tpu.sem_alloc : memref<!tpu.dma_semaphore, #tpu.memory_space<semaphore_mem>>
      %dma_start3A = arith.constant 0 : i32
      %dma_start3A_71 = tpu.memref_slice %arg14[%add3A_10, %dma_start3A] : memref<10240x64xf32, #tpu.memory_space<vmem_shared>> -> memref<128x64xf32, #tpu.memory_space<vmem_shared>>
      %dma_start3A_72 = arith.constant 0 : i32
      %dma_start3A_73 = tpu.memref_slice %arg14[%add3A_10, %dma_start3A_72] : memref<10240x64xf32, #tpu.memory_space<vmem_shared>> -> memref<128x64xf32, #tpu.memory_space<vmem_shared>>
      tpu.enqueue_dma source(%arg13 : memref<128x64xf32, #tpu.memory_space<vmem>>) target(%dma_start3A_73 : memref<128x64xf32, #tpu.memory_space<vmem_shared>>) target_semaphore(%run_scoped3A : memref<!tpu.dma_semaphore, #tpu.memory_space<semaphore_mem>>)
      %dma_wait3A = arith.constant 0 : i32
      %dma_wait3A_74 = tpu.memref_slice %arg14[%add3A_10, %dma_wait3A] : memref<10240x64xf32, #tpu.memory_space<vmem_shared>> -> memref<128x64xf32, #tpu.memory_space<vmem_shared>>
      %dma_wait3A_75 = arith.constant 0 : i32
      %dma_wait3A_76 = tpu.memref_slice %arg14[%add3A_10, %dma_wait3A_75] : memref<10240x64xf32, #tpu.memory_space<vmem_shared>> -> memref<128x64xf32, #tpu.memory_space<vmem_shared>>
      tpu.wait_dma2 semaphore(%run_scoped3A : memref<!tpu.dma_semaphore, #tpu.memory_space<semaphore_mem>>) src(%arg13 : memref<128x64xf32, #tpu.memory_space<vmem>>) dst(%dma_wait3A_76 : memref<128x64xf32, #tpu.memory_space<vmem_shared>>)
      tpu.yield
    }) : () -> ()
    %mul3A_11 = arith.constant 640 : i32
    %mul3A_12 = arith.muli %arg1, %mul3A_11 : i32
    %add3A_13 = arith.constant 256 : i32
    %add3A_14 = arith.addi %mul3A_12, %add3A_13 : i32
    "tpu.region"() ({
      %run_scoped3A = tpu.sem_alloc : memref<!tpu.dma_semaphore, #tpu.memory_space<semaphore_mem>>
      %dma_start3A = arith.constant 0 : i32
      %dma_start3A_71 = tpu.memref_slice %arg14[%add3A_14, %dma_start3A] : memref<10240x64xf32, #tpu.memory_space<vmem_shared>> -> memref<128x64xf32, #tpu.memory_space<vmem_shared>>
      %dma_start3A_72 = arith.constant 0 : i32
      %dma_start3A_73 = tpu.memref_slice %arg14[%add3A_14, %dma_start3A_72] : memref<10240x64xf32, #tpu.memory_space<vmem_shared>> -> memref<128x64xf32, #tpu.memory_space<vmem_shared>>
      tpu.enqueue_dma source(%arg13 : memref<128x64xf32, #tpu.memory_space<vmem>>) target(%dma_start3A_73 : memref<128x64xf32, #tpu.memory_space<vmem_shared>>) target_semaphore(%run_scoped3A : memref<!tpu.dma_semaphore, #tpu.memory_space<semaphore_mem>>)
      %dma_wait3A = arith.constant 0 : i32
      %dma_wait3A_74 = tpu.memref_slice %arg14[%add3A_14, %dma_wait3A] : memref<10240x64xf32, #tpu.memory_space<vmem_shared>> -> memref<128x64xf32, #tpu.memory_space<vmem_shared>>
      %dma_wait3A_75 = arith.constant 0 : i32
      %dma_wait3A_76 = tpu.memref_slice %arg14[%add3A_14, %dma_wait3A_75] : memref<10240x64xf32, #tpu.memory_space<vmem_shared>> -> memref<128x64xf32, #tpu.memory_space<vmem_shared>>
      tpu.wait_dma2 semaphore(%run_scoped3A : memref<!tpu.dma_semaphore, #tpu.memory_space<semaphore_mem>>) src(%arg13 : memref<128x64xf32, #tpu.memory_space<vmem>>) dst(%dma_wait3A_76 : memref<128x64xf32, #tpu.memory_space<vmem_shared>>)
      tpu.yield
    }) : () -> ()
    %mul3A_15 = arith.constant 640 : i32
    %mul3A_16 = arith.muli %arg1, %mul3A_15 : i32
    %add3A_17 = arith.constant 384 : i32
    %add3A_18 = arith.addi %mul3A_16, %add3A_17 : i32
    "tpu.region"() ({
      %run_scoped3A = tpu.sem_alloc : memref<!tpu.dma_semaphore, #tpu.memory_space<semaphore_mem>>
      %dma_start3A = arith.constant 0 : i32
      %dma_start3A_71 = tpu.memref_slice %arg14[%add3A_18, %dma_start3A] : memref<10240x64xf32, #tpu.memory_space<vmem_shared>> -> memref<128x64xf32, #tpu.memory_space<vmem_shared>>
      %dma_start3A_72 = arith.constant 0 : i32
      %dma_start3A_73 = tpu.memref_slice %arg14[%add3A_18, %dma_start3A_72] : memref<10240x64xf32, #tpu.memory_space<vmem_shared>> -> memref<128x64xf32, #tpu.memory_space<vmem_shared>>
      tpu.enqueue_dma source(%arg13 : memref<128x64xf32, #tpu.memory_space<vmem>>) target(%dma_start3A_73 : memref<128x64xf32, #tpu.memory_space<vmem_shared>>) target_semaphore(%run_scoped3A : memref<!tpu.dma_semaphore, #tpu.memory_space<semaphore_mem>>)
      %dma_wait3A = arith.constant 0 : i32
      %dma_wait3A_74 = tpu.memref_slice %arg14[%add3A_18, %dma_wait3A] : memref<10240x64xf32, #tpu.memory_space<vmem_shared>> -> memref<128x64xf32, #tpu.memory_space<vmem_shared>>
      %dma_wait3A_75 = arith.constant 0 : i32
      %dma_wait3A_76 = tpu.memref_slice %arg14[%add3A_18, %dma_wait3A_75] : memref<10240x64xf32, #tpu.memory_space<vmem_shared>> -> memref<128x64xf32, #tpu.memory_space<vmem_shared>>
      tpu.wait_dma2 semaphore(%run_scoped3A : memref<!tpu.dma_semaphore, #tpu.memory_space<semaphore_mem>>) src(%arg13 : memref<128x64xf32, #tpu.memory_space<vmem>>) dst(%dma_wait3A_76 : memref<128x64xf32, #tpu.memory_space<vmem_shared>>)
      tpu.yield
    }) : () -> ()
    %mul3A_19 = arith.constant 640 : i32
    %mul3A_20 = arith.muli %arg1, %mul3A_19 : i32
    %add3A_21 = arith.constant 512 : i32
    %add3A_22 = arith.addi %mul3A_20, %add3A_21 : i32
    "tpu.region"() ({
      %run_scoped3A = tpu.sem_alloc : memref<!tpu.dma_semaphore, #tpu.memory_space<semaphore_mem>>
      %dma_start3A = arith.constant 0 : i32
      %dma_start3A_71 = tpu.memref_slice %arg14[%add3A_22, %dma_start3A] : memref<10240x64xf32, #tpu.memory_space<vmem_shared>> -> memref<128x64xf32, #tpu.memory_space<vmem_shared>>
      %dma_start3A_72 = arith.constant 0 : i32
      %dma_start3A_73 = tpu.memref_slice %arg14[%add3A_22, %dma_start3A_72] : memref<10240x64xf32, #tpu.memory_space<vmem_shared>> -> memref<128x64xf32, #tpu.memory_space<vmem_shared>>
      tpu.enqueue_dma source(%arg13 : memref<128x64xf32, #tpu.memory_space<vmem>>) target(%dma_start3A_73 : memref<128x64xf32, #tpu.memory_space<vmem_shared>>) target_semaphore(%run_scoped3A : memref<!tpu.dma_semaphore, #tpu.memory_space<semaphore_mem>>)
      %dma_wait3A = arith.constant 0 : i32
      %dma_wait3A_74 = tpu.memref_slice %arg14[%add3A_22, %dma_wait3A] : memref<10240x64xf32, #tpu.memory_space<vmem_shared>> -> memref<128x64xf32, #tpu.memory_space<vmem_shared>>
      %dma_wait3A_75 = arith.constant 0 : i32
      %dma_wait3A_76 = tpu.memref_slice %arg14[%add3A_22, %dma_wait3A_75] : memref<10240x64xf32, #tpu.memory_space<vmem_shared>> -> memref<128x64xf32, #tpu.memory_space<vmem_shared>>
      tpu.wait_dma2 semaphore(%run_scoped3A : memref<!tpu.dma_semaphore, #tpu.memory_space<semaphore_mem>>) src(%arg13 : memref<128x64xf32, #tpu.memory_space<vmem>>) dst(%dma_wait3A_76 : memref<128x64xf32, #tpu.memory_space<vmem_shared>>)
      tpu.yield
    }) : () -> ()
    %barrier3A = arith.constant 0 : index
    tpu.barrier barrier_id(%barrier3A)
    %eq3A = arith.constant 0 : i32
    %eq3A_23 = arith.cmpi eq, %arg0, %eq3A : i32
    %convert_element_type3A = arith.extui %eq3A_23 : i1 to i32
    %cond3A = arith.constant 0 : i32
    %cond3A_24 = arith.cmpi ne, %convert_element_type3A, %cond3A : i32
    scf.if %cond3A_24 {
      %dma_start3A = arith.constant 0 : i32
      %dma_start3A_71 = arith.constant 0 : i32
      %dma_start3A_72 = tpu.memref_slice %arg7[%dma_start3A, %dma_start3A_71] : memref<162x125xi32, #tpu.memory_space<vmem>> -> memref<1x125xi32, #tpu.memory_space<vmem>>
      %dma_start3A_73 = tpu.memref_squeeze %dma_start3A_72 : memref<1x125xi32, #tpu.memory_space<vmem>> -> memref<125xi32, #tpu.memory_space<vmem>>
      %dma_start3A_74 = arith.constant 0 : i32
      %dma_start3A_75 = arith.constant 0 : i32
      %dma_start3A_76 = tpu.memref_slice %arg2[%dma_start3A_74, %dma_start3A_75] : memref<10000x64xf32, #tpu.memory_space<hbm>> -> memref<10000x64xf32, #tpu.memory_space<hbm>>
      tpu.enqueue_indirect_dma source(%dma_start3A_76 : memref<10000x64xf32, #tpu.memory_space<hbm>>) target(%arg9 : memref<125x64xf32, #tpu.memory_space<vmem>>) offsets(%dma_start3A_73 : memref<125xi32, #tpu.memory_space<vmem>>) semaphore(%arg15 : memref<!tpu.dma_semaphore, #tpu.memory_space<semaphore_mem>>)
      %dma_start3A_77 = arith.constant 1 : i32
      %dma_start3A_78 = arith.constant 0 : i32
      %dma_start3A_79 = tpu.memref_slice %arg7[%dma_start3A_77, %dma_start3A_78] : memref<162x125xi32, #tpu.memory_space<vmem>> -> memref<1x125xi32, #tpu.memory_space<vmem>>
      %dma_start3A_80 = tpu.memref_squeeze %dma_start3A_79 : memref<1x125xi32, #tpu.memory_space<vmem>> -> memref<125xi32, #tpu.memory_space<vmem>>
      %dma_start3A_81 = arith.constant 0 : i32
      %dma_start3A_82 = arith.constant 0 : i32
      %dma_start3A_83 = tpu.memref_slice %arg2[%dma_start3A_81, %dma_start3A_82] : memref<10000x64xf32, #tpu.memory_space<hbm>> -> memref<10000x64xf32, #tpu.memory_space<hbm>>
      tpu.enqueue_indirect_dma source(%dma_start3A_83 : memref<10000x64xf32, #tpu.memory_space<hbm>>) target(%arg10 : memref<125x64xf32, #tpu.memory_space<vmem>>) offsets(%dma_start3A_80 : memref<125xi32, #tpu.memory_space<vmem>>) semaphore(%arg16 : memref<!tpu.dma_semaphore, #tpu.memory_space<semaphore_mem>>)
      %scan3A_84 = arith.constant 0 : i32
      %scan3A_85 = arith.constant 80 : i32
      %scan3A_86 = arith.addi %scan3A_84, %scan3A_85 : i32
      %scan3A_87 = arith.constant 1 : i32
      scf.for %scan3A_102 = %scan3A_84 to %scan3A_86 step %scan3A_87  : i32 {
        %mul3A_103 = arith.constant 1 : i32
        %mul3A_104 = arith.muli %scan3A_102, %mul3A_103 : i32
        %add3A_105 = arith.constant 0 : i32
        %add3A_106 = arith.addi %add3A_105, %mul3A_104 : i32
        %mul3A_107 = arith.constant 2 : i32
        %mul3A_108 = arith.muli %add3A_106, %mul3A_107 : i32
        %add3A_109 = arith.constant 0 : i32
        %add3A_110 = arith.addi %mul3A_108, %add3A_109 : i32
        %dma_wait3A_111 = arith.constant 0 : i32
        %dma_wait3A_112 = tpu.memref_slice %arg7[%add3A_110, %dma_wait3A_111] : memref<162x125xi32, #tpu.memory_space<vmem>> -> memref<1x125xi32, #tpu.memory_space<vmem>>
        %dma_wait3A_113 = tpu.memref_squeeze %dma_wait3A_112 : memref<1x125xi32, #tpu.memory_space<vmem>> -> memref<125xi32, #tpu.memory_space<vmem>>
        %dma_wait3A_114 = arith.constant 0 : i32
        %dma_wait3A_115 = arith.constant 0 : i32
        %dma_wait3A_116 = tpu.memref_slice %arg2[%dma_wait3A_114, %dma_wait3A_115] : memref<10000x64xf32, #tpu.memory_space<hbm>> -> memref<10000x64xf32, #tpu.memory_space<hbm>>
        tpu.wait_indirect_dma semaphore(%arg15 : memref<!tpu.dma_semaphore, #tpu.memory_space<semaphore_mem>>) src(%dma_wait3A_116 : memref<10000x64xf32, #tpu.memory_space<hbm>>) dst(%arg9 : memref<125x64xf32, #tpu.memory_space<vmem>>)
        %add3A_117 = arith.constant 0 : i32
        %add3A_118 = arith.addi %mul3A_108, %add3A_117 : i32
        "tpu.region"() ({
          %run_scoped3A = tpu.sem_alloc : memref<!tpu.dma_semaphore, #tpu.memory_space<semaphore_mem>>
          %dma_start3A_149 = arith.constant 0 : i32
          %dma_start3A_150 = tpu.memref_slice %arg8[%add3A_118, %dma_start3A_149] : memref<160x125xi32, #tpu.memory_space<vmem>> -> memref<1x125xi32, #tpu.memory_space<vmem>>
          %dma_start3A_151 = tpu.memref_squeeze %dma_start3A_150 : memref<1x125xi32, #tpu.memory_space<vmem>> -> memref<125xi32, #tpu.memory_space<vmem>>
          %dma_start3A_152 = arith.constant 0 : i32
          %dma_start3A_153 = arith.constant 0 : i32
          %dma_start3A_154 = tpu.memref_slice %arg14[%dma_start3A_152, %dma_start3A_153] : memref<10240x64xf32, #tpu.memory_space<vmem_shared>> -> memref<10240x64xf32, #tpu.memory_space<vmem_shared>>
          tpu.enqueue_indirect_dma source(%arg9 : memref<125x64xf32, #tpu.memory_space<vmem>>) target(%dma_start3A_154 : memref<10240x64xf32, #tpu.memory_space<vmem_shared>>) offsets(%dma_start3A_151 : memref<125xi32, #tpu.memory_space<vmem>>) semaphore(%run_scoped3A : memref<!tpu.dma_semaphore, #tpu.memory_space<semaphore_mem>>) {add = true}
          %dma_wait3A_155 = arith.constant 0 : i32
          %dma_wait3A_156 = tpu.memref_slice %arg8[%add3A_118, %dma_wait3A_155] : memref<160x125xi32, #tpu.memory_space<vmem>> -> memref<1x125xi32, #tpu.memory_space<vmem>>
          %dma_wait3A_157 = tpu.memref_squeeze %dma_wait3A_156 : memref<1x125xi32, #tpu.memory_space<vmem>> -> memref<125xi32, #tpu.memory_space<vmem>>
          %dma_wait3A_158 = arith.constant 0 : i32
          %dma_wait3A_159 = arith.constant 0 : i32
          %dma_wait3A_160 = tpu.memref_slice %arg14[%dma_wait3A_158, %dma_wait3A_159] : memref<10240x64xf32, #tpu.memory_space<vmem_shared>> -> memref<10240x64xf32, #tpu.memory_space<vmem_shared>>
          tpu.wait_indirect_dma semaphore(%run_scoped3A : memref<!tpu.dma_semaphore, #tpu.memory_space<semaphore_mem>>) src(%arg9 : memref<125x64xf32, #tpu.memory_space<vmem>>) dst(%dma_wait3A_160 : memref<10240x64xf32, #tpu.memory_space<vmem_shared>>)
          tpu.yield
        }) : () -> ()
        %add3A_119 = arith.constant 2 : i32
        %add3A_120 = arith.addi %mul3A_108, %add3A_119 : i32
        %add3A_121 = arith.constant 0 : i32
        %add3A_122 = arith.addi %add3A_120, %add3A_121 : i32
        %dma_start3A_123 = arith.constant 0 : i32
        %dma_start3A_124 = tpu.memref_slice %arg7[%add3A_122, %dma_start3A_123] : memref<162x125xi32, #tpu.memory_space<vmem>> -> memref<1x125xi32, #tpu.memory_space<vmem>>
        %dma_start3A_125 = tpu.memref_squeeze %dma_start3A_124 : memref<1x125xi32, #tpu.memory_space<vmem>> -> memref<125xi32, #tpu.memory_space<vmem>>
        %dma_start3A_126 = arith.constant 0 : i32
        %dma_start3A_127 = arith.constant 0 : i32
        %dma_start3A_128 = tpu.memref_slice %arg2[%dma_start3A_126, %dma_start3A_127] : memref<10000x64xf32, #tpu.memory_space<hbm>> -> memref<10000x64xf32, #tpu.memory_space<hbm>>
        tpu.enqueue_indirect_dma source(%dma_start3A_128 : memref<10000x64xf32, #tpu.memory_space<hbm>>) target(%arg9 : memref<125x64xf32, #tpu.memory_space<vmem>>) offsets(%dma_start3A_125 : memref<125xi32, #tpu.memory_space<vmem>>) semaphore(%arg15 : memref<!tpu.dma_semaphore, #tpu.memory_space<semaphore_mem>>)
        %add3A_129 = arith.constant 1 : i32
        %add3A_130 = arith.addi %mul3A_108, %add3A_129 : i32
        %dma_wait3A_131 = arith.constant 0 : i32
        %dma_wait3A_132 = tpu.memref_slice %arg7[%add3A_130, %dma_wait3A_131] : memref<162x125xi32, #tpu.memory_space<vmem>> -> memref<1x125xi32, #tpu.memory_space<vmem>>
        %dma_wait3A_133 = tpu.memref_squeeze %dma_wait3A_132 : memref<1x125xi32, #tpu.memory_space<vmem>> -> memref<125xi32, #tpu.memory_space<vmem>>
        %dma_wait3A_134 = arith.constant 0 : i32
        %dma_wait3A_135 = arith.constant 0 : i32
        %dma_wait3A_136 = tpu.memref_slice %arg2[%dma_wait3A_134, %dma_wait3A_135] : memref<10000x64xf32, #tpu.memory_space<hbm>> -> memref<10000x64xf32, #tpu.memory_space<hbm>>
        tpu.wait_indirect_dma semaphore(%arg16 : memref<!tpu.dma_semaphore, #tpu.memory_space<semaphore_mem>>) src(%dma_wait3A_136 : memref<10000x64xf32, #tpu.memory_space<hbm>>) dst(%arg10 : memref<125x64xf32, #tpu.memory_space<vmem>>)
        %add3A_137 = arith.constant 1 : i32
        %add3A_138 = arith.addi %mul3A_108, %add3A_137 : i32
        "tpu.region"() ({
          %run_scoped3A = tpu.sem_alloc : memref<!tpu.dma_semaphore, #tpu.memory_space<semaphore_mem>>
          %dma_start3A_149 = arith.constant 0 : i32
          %dma_start3A_150 = tpu.memref_slice %arg8[%add3A_138, %dma_start3A_149] : memref<160x125xi32, #tpu.memory_space<vmem>> -> memref<1x125xi32, #tpu.memory_space<vmem>>
          %dma_start3A_151 = tpu.memref_squeeze %dma_start3A_150 : memref<1x125xi32, #tpu.memory_space<vmem>> -> memref<125xi32, #tpu.memory_space<vmem>>
          %dma_start3A_152 = arith.constant 0 : i32
          %dma_start3A_153 = arith.constant 0 : i32
          %dma_start3A_154 = tpu.memref_slice %arg14[%dma_start3A_152, %dma_start3A_153] : memref<10240x64xf32, #tpu.memory_space<vmem_shared>> -> memref<10240x64xf32, #tpu.memory_space<vmem_shared>>
          tpu.enqueue_indirect_dma source(%arg10 : memref<125x64xf32, #tpu.memory_space<vmem>>) target(%dma_start3A_154 : memref<10240x64xf32, #tpu.memory_space<vmem_shared>>) offsets(%dma_start3A_151 : memref<125xi32, #tpu.memory_space<vmem>>) semaphore(%run_scoped3A : memref<!tpu.dma_semaphore, #tpu.memory_space<semaphore_mem>>) {add = true}
          %dma_wait3A_155 = arith.constant 0 : i32
          %dma_wait3A_156 = tpu.memref_slice %arg8[%add3A_138, %dma_wait3A_155] : memref<160x125xi32, #tpu.memory_space<vmem>> -> memref<1x125xi32, #tpu.memory_space<vmem>>
          %dma_wait3A_157 = tpu.memref_squeeze %dma_wait3A_156 : memref<1x125xi32, #tpu.memory_space<vmem>> -> memref<125xi32, #tpu.memory_space<vmem>>
          %dma_wait3A_158 = arith.constant 0 : i32
          %dma_wait3A_159 = arith.constant 0 : i32
          %dma_wait3A_160 = tpu.memref_slice %arg14[%dma_wait3A_158, %dma_wait3A_159] : memref<10240x64xf32, #tpu.memory_space<vmem_shared>> -> memref<10240x64xf32, #tpu.memory_space<vmem_shared>>
          tpu.wait_indirect_dma semaphore(%run_scoped3A : memref<!tpu.dma_semaphore, #tpu.memory_space<semaphore_mem>>) src(%arg10 : memref<125x64xf32, #tpu.memory_space<vmem>>) dst(%dma_wait3A_160 : memref<10240x64xf32, #tpu.memory_space<vmem_shared>>)
          tpu.yield
        }) : () -> ()
        %add3A_139 = arith.constant 2 : i32
        %add3A_140 = arith.addi %mul3A_108, %add3A_139 : i32
        %add3A_141 = arith.constant 1 : i32
        %add3A_142 = arith.addi %add3A_140, %add3A_141 : i32
        %dma_start3A_143 = arith.constant 0 : i32
        %dma_start3A_144 = tpu.memref_slice %arg7[%add3A_142, %dma_start3A_143] : memref<162x125xi32, #tpu.memory_space<vmem>> -> memref<1x125xi32, #tpu.memory_space<vmem>>
        %dma_start3A_145 = tpu.memref_squeeze %dma_start3A_144 : memref<1x125xi32, #tpu.memory_space<vmem>> -> memref<125xi32, #tpu.memory_space<vmem>>
        %dma_start3A_146 = arith.constant 0 : i32
        %dma_start3A_147 = arith.constant 0 : i32
        %dma_start3A_148 = tpu.memref_slice %arg2[%dma_start3A_146, %dma_start3A_147] : memref<10000x64xf32, #tpu.memory_space<hbm>> -> memref<10000x64xf32, #tpu.memory_space<hbm>>
        tpu.enqueue_indirect_dma source(%dma_start3A_148 : memref<10000x64xf32, #tpu.memory_space<hbm>>) target(%arg10 : memref<125x64xf32, #tpu.memory_space<vmem>>) offsets(%dma_start3A_145 : memref<125xi32, #tpu.memory_space<vmem>>) semaphore(%arg16 : memref<!tpu.dma_semaphore, #tpu.memory_space<semaphore_mem>>)
      }
      %scan3A_88 = arith.constant 80 : i32
      %dma_wait3A = arith.constant 160 : i32
      %dma_wait3A_89 = arith.constant 0 : i32
      %dma_wait3A_90 = tpu.memref_slice %arg7[%dma_wait3A, %dma_wait3A_89] : memref<162x125xi32, #tpu.memory_space<vmem>> -> memref<1x125xi32, #tpu.memory_space<vmem>>
      %dma_wait3A_91 = tpu.memref_squeeze %dma_wait3A_90 : memref<1x125xi32, #tpu.memory_space<vmem>> -> memref<125xi32, #tpu.memory_space<vmem>>
      %dma_wait3A_92 = arith.constant 0 : i32
      %dma_wait3A_93 = arith.constant 0 : i32
      %dma_wait3A_94 = tpu.memref_slice %arg2[%dma_wait3A_92, %dma_wait3A_93] : memref<10000x64xf32, #tpu.memory_space<hbm>> -> memref<10000x64xf32, #tpu.memory_space<hbm>>
      tpu.wait_indirect_dma semaphore(%arg15 : memref<!tpu.dma_semaphore, #tpu.memory_space<semaphore_mem>>) src(%dma_wait3A_94 : memref<10000x64xf32, #tpu.memory_space<hbm>>) dst(%arg9 : memref<125x64xf32, #tpu.memory_space<vmem>>)
      %dma_wait3A_95 = arith.constant 161 : i32
      %dma_wait3A_96 = arith.constant 0 : i32
      %dma_wait3A_97 = tpu.memref_slice %arg7[%dma_wait3A_95, %dma_wait3A_96] : memref<162x125xi32, #tpu.memory_space<vmem>> -> memref<1x125xi32, #tpu.memory_space<vmem>>
      %dma_wait3A_98 = tpu.memref_squeeze %dma_wait3A_97 : memref<1x125xi32, #tpu.memory_space<vmem>> -> memref<125xi32, #tpu.memory_space<vmem>>
      %dma_wait3A_99 = arith.constant 0 : i32
      %dma_wait3A_100 = arith.constant 0 : i32
      %dma_wait3A_101 = tpu.memref_slice %arg2[%dma_wait3A_99, %dma_wait3A_100] : memref<10000x64xf32, #tpu.memory_space<hbm>> -> memref<10000x64xf32, #tpu.memory_space<hbm>>
      tpu.wait_indirect_dma semaphore(%arg16 : memref<!tpu.dma_semaphore, #tpu.memory_space<semaphore_mem>>) src(%dma_wait3A_101 : memref<10000x64xf32, #tpu.memory_space<hbm>>) dst(%arg10 : memref<125x64xf32, #tpu.memory_space<vmem>>)
    } else {
    }
    %eq3A_25 = arith.constant 1 : i32
    %eq3A_26 = arith.cmpi eq, %arg0, %eq3A_25 : i32
    %convert_element_type3A_27 = arith.extui %eq3A_26 : i1 to i32
    %cond3A_28 = arith.constant 0 : i32
    %cond3A_29 = arith.cmpi ne, %convert_element_type3A_27, %cond3A_28 : i32
    scf.if %cond3A_29 {
      %dma_start3A = arith.constant 0 : i32
      %dma_start3A_71 = arith.constant 0 : i32
      %dma_start3A_72 = tpu.memref_slice %arg7[%dma_start3A, %dma_start3A_71] : memref<162x125xi32, #tpu.memory_space<vmem>> -> memref<1x125xi32, #tpu.memory_space<vmem>>
      %dma_start3A_73 = tpu.memref_squeeze %dma_start3A_72 : memref<1x125xi32, #tpu.memory_space<vmem>> -> memref<125xi32, #tpu.memory_space<vmem>>
      %dma_start3A_74 = arith.constant 0 : i32
      %dma_start3A_75 = arith.constant 0 : i32
      %dma_start3A_76 = tpu.memref_slice %arg3[%dma_start3A_74, %dma_start3A_75] : memref<10000x64xf32, #tpu.memory_space<hbm>> -> memref<10000x64xf32, #tpu.memory_space<hbm>>
      tpu.enqueue_indirect_dma source(%dma_start3A_76 : memref<10000x64xf32, #tpu.memory_space<hbm>>) target(%arg9 : memref<125x64xf32, #tpu.memory_space<vmem>>) offsets(%dma_start3A_73 : memref<125xi32, #tpu.memory_space<vmem>>) semaphore(%arg15 : memref<!tpu.dma_semaphore, #tpu.memory_space<semaphore_mem>>)
      %dma_start3A_77 = arith.constant 1 : i32
      %dma_start3A_78 = arith.constant 0 : i32
      %dma_start3A_79 = tpu.memref_slice %arg7[%dma_start3A_77, %dma_start3A_78] : memref<162x125xi32, #tpu.memory_space<vmem>> -> memref<1x125xi32, #tpu.memory_space<vmem>>
      %dma_start3A_80 = tpu.memref_squeeze %dma_start3A_79 : memref<1x125xi32, #tpu.memory_space<vmem>> -> memref<125xi32, #tpu.memory_space<vmem>>
      %dma_start3A_81 = arith.constant 0 : i32
      %dma_start3A_82 = arith.constant 0 : i32
      %dma_start3A_83 = tpu.memref_slice %arg3[%dma_start3A_81, %dma_start3A_82] : memref<10000x64xf32, #tpu.memory_space<hbm>> -> memref<10000x64xf32, #tpu.memory_space<hbm>>
      tpu.enqueue_indirect_dma source(%dma_start3A_83 : memref<10000x64xf32, #tpu.memory_space<hbm>>) target(%arg10 : memref<125x64xf32, #tpu.memory_space<vmem>>) offsets(%dma_start3A_80 : memref<125xi32, #tpu.memory_space<vmem>>) semaphore(%arg16 : memref<!tpu.dma_semaphore, #tpu.memory_space<semaphore_mem>>)
      %scan3A_84 = arith.constant 0 : i32
      %scan3A_85 = arith.constant 80 : i32
      %scan3A_86 = arith.addi %scan3A_84, %scan3A_85 : i32
      %scan3A_87 = arith.constant 1 : i32
      scf.for %scan3A_102 = %scan3A_84 to %scan3A_86 step %scan3A_87  : i32 {
        %mul3A_103 = arith.constant 1 : i32
        %mul3A_104 = arith.muli %scan3A_102, %mul3A_103 : i32
        %add3A_105 = arith.constant 0 : i32
        %add3A_106 = arith.addi %add3A_105, %mul3A_104 : i32
        %mul3A_107 = arith.constant 2 : i32
        %mul3A_108 = arith.muli %add3A_106, %mul3A_107 : i32
        %add3A_109 = arith.constant 0 : i32
        %add3A_110 = arith.addi %mul3A_108, %add3A_109 : i32
        %dma_wait3A_111 = arith.constant 0 : i32
        %dma_wait3A_112 = tpu.memref_slice %arg7[%add3A_110, %dma_wait3A_111] : memref<162x125xi32, #tpu.memory_space<vmem>> -> memref<1x125xi32, #tpu.memory_space<vmem>>
        %dma_wait3A_113 = tpu.memref_squeeze %dma_wait3A_112 : memref<1x125xi32, #tpu.memory_space<vmem>> -> memref<125xi32, #tpu.memory_space<vmem>>
        %dma_wait3A_114 = arith.constant 0 : i32
        %dma_wait3A_115 = arith.constant 0 : i32
        %dma_wait3A_116 = tpu.memref_slice %arg3[%dma_wait3A_114, %dma_wait3A_115] : memref<10000x64xf32, #tpu.memory_space<hbm>> -> memref<10000x64xf32, #tpu.memory_space<hbm>>
        tpu.wait_indirect_dma semaphore(%arg15 : memref<!tpu.dma_semaphore, #tpu.memory_space<semaphore_mem>>) src(%dma_wait3A_116 : memref<10000x64xf32, #tpu.memory_space<hbm>>) dst(%arg9 : memref<125x64xf32, #tpu.memory_space<vmem>>)
        %add3A_117 = arith.constant 0 : i32
        %add3A_118 = arith.addi %mul3A_108, %add3A_117 : i32
        "tpu.region"() ({
          %run_scoped3A = tpu.sem_alloc : memref<!tpu.dma_semaphore, #tpu.memory_space<semaphore_mem>>
          %dma_start3A_149 = arith.constant 0 : i32
          %dma_start3A_150 = tpu.memref_slice %arg8[%add3A_118, %dma_start3A_149] : memref<160x125xi32, #tpu.memory_space<vmem>> -> memref<1x125xi32, #tpu.memory_space<vmem>>
          %dma_start3A_151 = tpu.memref_squeeze %dma_start3A_150 : memref<1x125xi32, #tpu.memory_space<vmem>> -> memref<125xi32, #tpu.memory_space<vmem>>
          %dma_start3A_152 = arith.constant 0 : i32
          %dma_start3A_153 = arith.constant 0 : i32
          %dma_start3A_154 = tpu.memref_slice %arg14[%dma_start3A_152, %dma_start3A_153] : memref<10240x64xf32, #tpu.memory_space<vmem_shared>> -> memref<10240x64xf32, #tpu.memory_space<vmem_shared>>
          tpu.enqueue_indirect_dma source(%arg9 : memref<125x64xf32, #tpu.memory_space<vmem>>) target(%dma_start3A_154 : memref<10240x64xf32, #tpu.memory_space<vmem_shared>>) offsets(%dma_start3A_151 : memref<125xi32, #tpu.memory_space<vmem>>) semaphore(%run_scoped3A : memref<!tpu.dma_semaphore, #tpu.memory_space<semaphore_mem>>) {add = true}
          %dma_wait3A_155 = arith.constant 0 : i32
          %dma_wait3A_156 = tpu.memref_slice %arg8[%add3A_118, %dma_wait3A_155] : memref<160x125xi32, #tpu.memory_space<vmem>> -> memref<1x125xi32, #tpu.memory_space<vmem>>
          %dma_wait3A_157 = tpu.memref_squeeze %dma_wait3A_156 : memref<1x125xi32, #tpu.memory_space<vmem>> -> memref<125xi32, #tpu.memory_space<vmem>>
          %dma_wait3A_158 = arith.constant 0 : i32
          %dma_wait3A_159 = arith.constant 0 : i32
          %dma_wait3A_160 = tpu.memref_slice %arg14[%dma_wait3A_158, %dma_wait3A_159] : memref<10240x64xf32, #tpu.memory_space<vmem_shared>> -> memref<10240x64xf32, #tpu.memory_space<vmem_shared>>
          tpu.wait_indirect_dma semaphore(%run_scoped3A : memref<!tpu.dma_semaphore, #tpu.memory_space<semaphore_mem>>) src(%arg9 : memref<125x64xf32, #tpu.memory_space<vmem>>) dst(%dma_wait3A_160 : memref<10240x64xf32, #tpu.memory_space<vmem_shared>>)
          tpu.yield
        }) : () -> ()
        %add3A_119 = arith.constant 2 : i32
        %add3A_120 = arith.addi %mul3A_108, %add3A_119 : i32
        %add3A_121 = arith.constant 0 : i32
        %add3A_122 = arith.addi %add3A_120, %add3A_121 : i32
        %dma_start3A_123 = arith.constant 0 : i32
        %dma_start3A_124 = tpu.memref_slice %arg7[%add3A_122, %dma_start3A_123] : memref<162x125xi32, #tpu.memory_space<vmem>> -> memref<1x125xi32, #tpu.memory_space<vmem>>
        %dma_start3A_125 = tpu.memref_squeeze %dma_start3A_124 : memref<1x125xi32, #tpu.memory_space<vmem>> -> memref<125xi32, #tpu.memory_space<vmem>>
        %dma_start3A_126 = arith.constant 0 : i32
        %dma_start3A_127 = arith.constant 0 : i32
        %dma_start3A_128 = tpu.memref_slice %arg3[%dma_start3A_126, %dma_start3A_127] : memref<10000x64xf32, #tpu.memory_space<hbm>> -> memref<10000x64xf32, #tpu.memory_space<hbm>>
        tpu.enqueue_indirect_dma source(%dma_start3A_128 : memref<10000x64xf32, #tpu.memory_space<hbm>>) target(%arg9 : memref<125x64xf32, #tpu.memory_space<vmem>>) offsets(%dma_start3A_125 : memref<125xi32, #tpu.memory_space<vmem>>) semaphore(%arg15 : memref<!tpu.dma_semaphore, #tpu.memory_space<semaphore_mem>>)
        %add3A_129 = arith.constant 1 : i32
        %add3A_130 = arith.addi %mul3A_108, %add3A_129 : i32
        %dma_wait3A_131 = arith.constant 0 : i32
        %dma_wait3A_132 = tpu.memref_slice %arg7[%add3A_130, %dma_wait3A_131] : memref<162x125xi32, #tpu.memory_space<vmem>> -> memref<1x125xi32, #tpu.memory_space<vmem>>
        %dma_wait3A_133 = tpu.memref_squeeze %dma_wait3A_132 : memref<1x125xi32, #tpu.memory_space<vmem>> -> memref<125xi32, #tpu.memory_space<vmem>>
        %dma_wait3A_134 = arith.constant 0 : i32
        %dma_wait3A_135 = arith.constant 0 : i32
        %dma_wait3A_136 = tpu.memref_slice %arg3[%dma_wait3A_134, %dma_wait3A_135] : memref<10000x64xf32, #tpu.memory_space<hbm>> -> memref<10000x64xf32, #tpu.memory_space<hbm>>
        tpu.wait_indirect_dma semaphore(%arg16 : memref<!tpu.dma_semaphore, #tpu.memory_space<semaphore_mem>>) src(%dma_wait3A_136 : memref<10000x64xf32, #tpu.memory_space<hbm>>) dst(%arg10 : memref<125x64xf32, #tpu.memory_space<vmem>>)
        %add3A_137 = arith.constant 1 : i32
        %add3A_138 = arith.addi %mul3A_108, %add3A_137 : i32
        "tpu.region"() ({
          %run_scoped3A = tpu.sem_alloc : memref<!tpu.dma_semaphore, #tpu.memory_space<semaphore_mem>>
          %dma_start3A_149 = arith.constant 0 : i32
          %dma_start3A_150 = tpu.memref_slice %arg8[%add3A_138, %dma_start3A_149] : memref<160x125xi32, #tpu.memory_space<vmem>> -> memref<1x125xi32, #tpu.memory_space<vmem>>
          %dma_start3A_151 = tpu.memref_squeeze %dma_start3A_150 : memref<1x125xi32, #tpu.memory_space<vmem>> -> memref<125xi32, #tpu.memory_space<vmem>>
          %dma_start3A_152 = arith.constant 0 : i32
          %dma_start3A_153 = arith.constant 0 : i32
          %dma_start3A_154 = tpu.memref_slice %arg14[%dma_start3A_152, %dma_start3A_153] : memref<10240x64xf32, #tpu.memory_space<vmem_shared>> -> memref<10240x64xf32, #tpu.memory_space<vmem_shared>>
          tpu.enqueue_indirect_dma source(%arg10 : memref<125x64xf32, #tpu.memory_space<vmem>>) target(%dma_start3A_154 : memref<10240x64xf32, #tpu.memory_space<vmem_shared>>) offsets(%dma_start3A_151 : memref<125xi32, #tpu.memory_space<vmem>>) semaphore(%run_scoped3A : memref<!tpu.dma_semaphore, #tpu.memory_space<semaphore_mem>>) {add = true}
          %dma_wait3A_155 = arith.constant 0 : i32
          %dma_wait3A_156 = tpu.memref_slice %arg8[%add3A_138, %dma_wait3A_155] : memref<160x125xi32, #tpu.memory_space<vmem>> -> memref<1x125xi32, #tpu.memory_space<vmem>>
          %dma_wait3A_157 = tpu.memref_squeeze %dma_wait3A_156 : memref<1x125xi32, #tpu.memory_space<vmem>> -> memref<125xi32, #tpu.memory_space<vmem>>
          %dma_wait3A_158 = arith.constant 0 : i32
          %dma_wait3A_159 = arith.constant 0 : i32
          %dma_wait3A_160 = tpu.memref_slice %arg14[%dma_wait3A_158, %dma_wait3A_159] : memref<10240x64xf32, #tpu.memory_space<vmem_shared>> -> memref<10240x64xf32, #tpu.memory_space<vmem_shared>>
          tpu.wait_indirect_dma semaphore(%run_scoped3A : memref<!tpu.dma_semaphore, #tpu.memory_space<semaphore_mem>>) src(%arg10 : memref<125x64xf32, #tpu.memory_space<vmem>>) dst(%dma_wait3A_160 : memref<10240x64xf32, #tpu.memory_space<vmem_shared>>)
          tpu.yield
        }) : () -> ()
        %add3A_139 = arith.constant 2 : i32
        %add3A_140 = arith.addi %mul3A_108, %add3A_139 : i32
        %add3A_141 = arith.constant 1 : i32
        %add3A_142 = arith.addi %add3A_140, %add3A_141 : i32
        %dma_start3A_143 = arith.constant 0 : i32
        %dma_start3A_144 = tpu.memref_slice %arg7[%add3A_142, %dma_start3A_143] : memref<162x125xi32, #tpu.memory_space<vmem>> -> memref<1x125xi32, #tpu.memory_space<vmem>>
        %dma_start3A_145 = tpu.memref_squeeze %dma_start3A_144 : memref<1x125xi32, #tpu.memory_space<vmem>> -> memref<125xi32, #tpu.memory_space<vmem>>
        %dma_start3A_146 = arith.constant 0 : i32
        %dma_start3A_147 = arith.constant 0 : i32
        %dma_start3A_148 = tpu.memref_slice %arg3[%dma_start3A_146, %dma_start3A_147] : memref<10000x64xf32, #tpu.memory_space<hbm>> -> memref<10000x64xf32, #tpu.memory_space<hbm>>
        tpu.enqueue_indirect_dma source(%dma_start3A_148 : memref<10000x64xf32, #tpu.memory_space<hbm>>) target(%arg10 : memref<125x64xf32, #tpu.memory_space<vmem>>) offsets(%dma_start3A_145 : memref<125xi32, #tpu.memory_space<vmem>>) semaphore(%arg16 : memref<!tpu.dma_semaphore, #tpu.memory_space<semaphore_mem>>)
      }
      %scan3A_88 = arith.constant 80 : i32
      %dma_wait3A = arith.constant 160 : i32
      %dma_wait3A_89 = arith.constant 0 : i32
      %dma_wait3A_90 = tpu.memref_slice %arg7[%dma_wait3A, %dma_wait3A_89] : memref<162x125xi32, #tpu.memory_space<vmem>> -> memref<1x125xi32, #tpu.memory_space<vmem>>
      %dma_wait3A_91 = tpu.memref_squeeze %dma_wait3A_90 : memref<1x125xi32, #tpu.memory_space<vmem>> -> memref<125xi32, #tpu.memory_space<vmem>>
      %dma_wait3A_92 = arith.constant 0 : i32
      %dma_wait3A_93 = arith.constant 0 : i32
      %dma_wait3A_94 = tpu.memref_slice %arg3[%dma_wait3A_92, %dma_wait3A_93] : memref<10000x64xf32, #tpu.memory_space<hbm>> -> memref<10000x64xf32, #tpu.memory_space<hbm>>
      tpu.wait_indirect_dma semaphore(%arg15 : memref<!tpu.dma_semaphore, #tpu.memory_space<semaphore_mem>>) src(%dma_wait3A_94 : memref<10000x64xf32, #tpu.memory_space<hbm>>) dst(%arg9 : memref<125x64xf32, #tpu.memory_space<vmem>>)
      %dma_wait3A_95 = arith.constant 161 : i32
      %dma_wait3A_96 = arith.constant 0 : i32
      %dma_wait3A_97 = tpu.memref_slice %arg7[%dma_wait3A_95, %dma_wait3A_96] : memref<162x125xi32, #tpu.memory_space<vmem>> -> memref<1x125xi32, #tpu.memory_space<vmem>>
      %dma_wait3A_98 = tpu.memref_squeeze %dma_wait3A_97 : memref<1x125xi32, #tpu.memory_space<vmem>> -> memref<125xi32, #tpu.memory_space<vmem>>
      %dma_wait3A_99 = arith.constant 0 : i32
      %dma_wait3A_100 = arith.constant 0 : i32
      %dma_wait3A_101 = tpu.memref_slice %arg3[%dma_wait3A_99, %dma_wait3A_100] : memref<10000x64xf32, #tpu.memory_space<hbm>> -> memref<10000x64xf32, #tpu.memory_space<hbm>>
      tpu.wait_indirect_dma semaphore(%arg16 : memref<!tpu.dma_semaphore, #tpu.memory_space<semaphore_mem>>) src(%dma_wait3A_101 : memref<10000x64xf32, #tpu.memory_space<hbm>>) dst(%arg10 : memref<125x64xf32, #tpu.memory_space<vmem>>)
    } else {
    }
    %barrier3A_30 = arith.constant 0 : index
    tpu.barrier barrier_id(%barrier3A_30)
    %mul3A_31 = arith.constant 640 : i32
    %mul3A_32 = arith.muli %arg1, %mul3A_31 : i32
    %add3A_33 = arith.constant 0 : i32
    %add3A_34 = arith.addi %mul3A_32, %add3A_33 : i32
    "tpu.region"() ({
      %run_scoped3A = tpu.sem_alloc : memref<!tpu.dma_semaphore, #tpu.memory_space<semaphore_mem>>
      %dma_start3A = arith.constant 0 : i32
      %dma_start3A_71 = tpu.memref_slice %arg14[%add3A_34, %dma_start3A] : memref<10240x64xf32, #tpu.memory_space<vmem_shared>> -> memref<128x64xf32, #tpu.memory_space<vmem_shared>>
      %dma_start3A_72 = arith.constant 0 : i32
      %dma_start3A_73 = tpu.memref_slice %arg14[%add3A_34, %dma_start3A_72] : memref<10240x64xf32, #tpu.memory_space<vmem_shared>> -> memref<128x64xf32, #tpu.memory_space<vmem_shared>>
      tpu.enqueue_dma source(%dma_start3A_73 : memref<128x64xf32, #tpu.memory_space<vmem_shared>>) target(%arg13 : memref<128x64xf32, #tpu.memory_space<vmem>>) target_semaphore(%run_scoped3A : memref<!tpu.dma_semaphore, #tpu.memory_space<semaphore_mem>>)
      %dma_wait3A = arith.constant 0 : i32
      %dma_wait3A_74 = tpu.memref_slice %arg14[%add3A_34, %dma_wait3A] : memref<10240x64xf32, #tpu.memory_space<vmem_shared>> -> memref<128x64xf32, #tpu.memory_space<vmem_shared>>
      %dma_wait3A_75 = arith.constant 0 : i32
      %dma_wait3A_76 = tpu.memref_slice %arg14[%add3A_34, %dma_wait3A_75] : memref<10240x64xf32, #tpu.memory_space<vmem_shared>> -> memref<128x64xf32, #tpu.memory_space<vmem_shared>>
      tpu.wait_dma2 semaphore(%run_scoped3A : memref<!tpu.dma_semaphore, #tpu.memory_space<semaphore_mem>>) src(%dma_wait3A_76 : memref<128x64xf32, #tpu.memory_space<vmem_shared>>) dst(%arg13 : memref<128x64xf32, #tpu.memory_space<vmem>>)
      tpu.yield
    }) : () -> ()
    %mul3A_35 = arith.constant 640 : i32
    %mul3A_36 = arith.muli %arg1, %mul3A_35 : i32
    %add3A_37 = arith.constant 0 : i32
    %add3A_38 = arith.addi %mul3A_36, %add3A_37 : i32
    "tpu.region"() ({
      %run_scoped3A = tpu.sem_alloc : memref<!tpu.dma_semaphore, #tpu.memory_space<semaphore_mem>>
      %dma_start3A = arith.constant 0 : i32
      %dma_start3A_71 = tpu.memref_slice %arg6[%arg0, %add3A_38, %dma_start3A] : memref<2x10240x64xf32, #tpu.memory_space<hbm>> -> memref<1x128x64xf32, #tpu.memory_space<hbm>>
      %dma_start3A_72 = tpu.memref_squeeze %dma_start3A_71 : memref<1x128x64xf32, #tpu.memory_space<hbm>> -> memref<128x64xf32, #tpu.memory_space<hbm>>
      %dma_start3A_73 = arith.constant 0 : i32
      %dma_start3A_74 = tpu.memref_slice %arg6[%arg0, %add3A_38, %dma_start3A_73] : memref<2x10240x64xf32, #tpu.memory_space<hbm>> -> memref<1x128x64xf32, #tpu.memory_space<hbm>>
      %dma_start3A_75 = tpu.memref_squeeze %dma_start3A_74 : memref<1x128x64xf32, #tpu.memory_space<hbm>> -> memref<128x64xf32, #tpu.memory_space<hbm>>
      tpu.enqueue_dma source(%arg13 : memref<128x64xf32, #tpu.memory_space<vmem>>) target(%dma_start3A_75 : memref<128x64xf32, #tpu.memory_space<hbm>>) target_semaphore(%run_scoped3A : memref<!tpu.dma_semaphore, #tpu.memory_space<semaphore_mem>>)
      %dma_wait3A = arith.constant 0 : i32
      %dma_wait3A_76 = tpu.memref_slice %arg6[%arg0, %add3A_38, %dma_wait3A] : memref<2x10240x64xf32, #tpu.memory_space<hbm>> -> memref<1x128x64xf32, #tpu.memory_space<hbm>>
      %dma_wait3A_77 = tpu.memref_squeeze %dma_wait3A_76 : memref<1x128x64xf32, #tpu.memory_space<hbm>> -> memref<128x64xf32, #tpu.memory_space<hbm>>
      %dma_wait3A_78 = arith.constant 0 : i32
      %dma_wait3A_79 = tpu.memref_slice %arg6[%arg0, %add3A_38, %dma_wait3A_78] : memref<2x10240x64xf32, #tpu.memory_space<hbm>> -> memref<1x128x64xf32, #tpu.memory_space<hbm>>
      %dma_wait3A_80 = tpu.memref_squeeze %dma_wait3A_79 : memref<1x128x64xf32, #tpu.memory_space<hbm>> -> memref<128x64xf32, #tpu.memory_space<hbm>>
      tpu.wait_dma2 semaphore(%run_scoped3A : memref<!tpu.dma_semaphore, #tpu.memory_space<semaphore_mem>>) src(%arg13 : memref<128x64xf32, #tpu.memory_space<vmem>>) dst(%dma_wait3A_80 : memref<128x64xf32, #tpu.memory_space<hbm>>)
      tpu.yield
    }) : () -> ()
    %mul3A_39 = arith.constant 640 : i32
    %mul3A_40 = arith.muli %arg1, %mul3A_39 : i32
    %add3A_41 = arith.constant 128 : i32
    %add3A_42 = arith.addi %mul3A_40, %add3A_41 : i32
    "tpu.region"() ({
      %run_scoped3A = tpu.sem_alloc : memref<!tpu.dma_semaphore, #tpu.memory_space<semaphore_mem>>
      %dma_start3A = arith.constant 0 : i32
      %dma_start3A_71 = tpu.memref_slice %arg14[%add3A_42, %dma_start3A] : memref<10240x64xf32, #tpu.memory_space<vmem_shared>> -> memref<128x64xf32, #tpu.memory_space<vmem_shared>>
      %dma_start3A_72 = arith.constant 0 : i32
      %dma_start3A_73 = tpu.memref_slice %arg14[%add3A_42, %dma_start3A_72] : memref<10240x64xf32, #tpu.memory_space<vmem_shared>> -> memref<128x64xf32, #tpu.memory_space<vmem_shared>>
      tpu.enqueue_dma source(%dma_start3A_73 : memref<128x64xf32, #tpu.memory_space<vmem_shared>>) target(%arg13 : memref<128x64xf32, #tpu.memory_space<vmem>>) target_semaphore(%run_scoped3A : memref<!tpu.dma_semaphore, #tpu.memory_space<semaphore_mem>>)
      %dma_wait3A = arith.constant 0 : i32
      %dma_wait3A_74 = tpu.memref_slice %arg14[%add3A_42, %dma_wait3A] : memref<10240x64xf32, #tpu.memory_space<vmem_shared>> -> memref<128x64xf32, #tpu.memory_space<vmem_shared>>
      %dma_wait3A_75 = arith.constant 0 : i32
      %dma_wait3A_76 = tpu.memref_slice %arg14[%add3A_42, %dma_wait3A_75] : memref<10240x64xf32, #tpu.memory_space<vmem_shared>> -> memref<128x64xf32, #tpu.memory_space<vmem_shared>>
      tpu.wait_dma2 semaphore(%run_scoped3A : memref<!tpu.dma_semaphore, #tpu.memory_space<semaphore_mem>>) src(%dma_wait3A_76 : memref<128x64xf32, #tpu.memory_space<vmem_shared>>) dst(%arg13 : memref<128x64xf32, #tpu.memory_space<vmem>>)
      tpu.yield
    }) : () -> ()
    %mul3A_43 = arith.constant 640 : i32
    %mul3A_44 = arith.muli %arg1, %mul3A_43 : i32
    %add3A_45 = arith.constant 128 : i32
    %add3A_46 = arith.addi %mul3A_44, %add3A_45 : i32
    "tpu.region"() ({
      %run_scoped3A = tpu.sem_alloc : memref<!tpu.dma_semaphore, #tpu.memory_space<semaphore_mem>>
      %dma_start3A = arith.constant 0 : i32
      %dma_start3A_71 = tpu.memref_slice %arg6[%arg0, %add3A_46, %dma_start3A] : memref<2x10240x64xf32, #tpu.memory_space<hbm>> -> memref<1x128x64xf32, #tpu.memory_space<hbm>>
      %dma_start3A_72 = tpu.memref_squeeze %dma_start3A_71 : memref<1x128x64xf32, #tpu.memory_space<hbm>> -> memref<128x64xf32, #tpu.memory_space<hbm>>
      %dma_start3A_73 = arith.constant 0 : i32
      %dma_start3A_74 = tpu.memref_slice %arg6[%arg0, %add3A_46, %dma_start3A_73] : memref<2x10240x64xf32, #tpu.memory_space<hbm>> -> memref<1x128x64xf32, #tpu.memory_space<hbm>>
      %dma_start3A_75 = tpu.memref_squeeze %dma_start3A_74 : memref<1x128x64xf32, #tpu.memory_space<hbm>> -> memref<128x64xf32, #tpu.memory_space<hbm>>
      tpu.enqueue_dma source(%arg13 : memref<128x64xf32, #tpu.memory_space<vmem>>) target(%dma_start3A_75 : memref<128x64xf32, #tpu.memory_space<hbm>>) target_semaphore(%run_scoped3A : memref<!tpu.dma_semaphore, #tpu.memory_space<semaphore_mem>>)
      %dma_wait3A = arith.constant 0 : i32
      %dma_wait3A_76 = tpu.memref_slice %arg6[%arg0, %add3A_46, %dma_wait3A] : memref<2x10240x64xf32, #tpu.memory_space<hbm>> -> memref<1x128x64xf32, #tpu.memory_space<hbm>>
      %dma_wait3A_77 = tpu.memref_squeeze %dma_wait3A_76 : memref<1x128x64xf32, #tpu.memory_space<hbm>> -> memref<128x64xf32, #tpu.memory_space<hbm>>
      %dma_wait3A_78 = arith.constant 0 : i32
      %dma_wait3A_79 = tpu.memref_slice %arg6[%arg0, %add3A_46, %dma_wait3A_78] : memref<2x10240x64xf32, #tpu.memory_space<hbm>> -> memref<1x128x64xf32, #tpu.memory_space<hbm>>
      %dma_wait3A_80 = tpu.memref_squeeze %dma_wait3A_79 : memref<1x128x64xf32, #tpu.memory_space<hbm>> -> memref<128x64xf32, #tpu.memory_space<hbm>>
      tpu.wait_dma2 semaphore(%run_scoped3A : memref<!tpu.dma_semaphore, #tpu.memory_space<semaphore_mem>>) src(%arg13 : memref<128x64xf32, #tpu.memory_space<vmem>>) dst(%dma_wait3A_80 : memref<128x64xf32, #tpu.memory_space<hbm>>)
      tpu.yield
    }) : () -> ()
    %mul3A_47 = arith.constant 640 : i32
    %mul3A_48 = arith.muli %arg1, %mul3A_47 : i32
    %add3A_49 = arith.constant 256 : i32
    %add3A_50 = arith.addi %mul3A_48, %add3A_49 : i32
    "tpu.region"() ({
      %run_scoped3A = tpu.sem_alloc : memref<!tpu.dma_semaphore, #tpu.memory_space<semaphore_mem>>
      %dma_start3A = arith.constant 0 : i32
      %dma_start3A_71 = tpu.memref_slice %arg14[%add3A_50, %dma_start3A] : memref<10240x64xf32, #tpu.memory_space<vmem_shared>> -> memref<128x64xf32, #tpu.memory_space<vmem_shared>>
      %dma_start3A_72 = arith.constant 0 : i32
      %dma_start3A_73 = tpu.memref_slice %arg14[%add3A_50, %dma_start3A_72] : memref<10240x64xf32, #tpu.memory_space<vmem_shared>> -> memref<128x64xf32, #tpu.memory_space<vmem_shared>>
      tpu.enqueue_dma source(%dma_start3A_73 : memref<128x64xf32, #tpu.memory_space<vmem_shared>>) target(%arg13 : memref<128x64xf32, #tpu.memory_space<vmem>>) target_semaphore(%run_scoped3A : memref<!tpu.dma_semaphore, #tpu.memory_space<semaphore_mem>>)
      %dma_wait3A = arith.constant 0 : i32
      %dma_wait3A_74 = tpu.memref_slice %arg14[%add3A_50, %dma_wait3A] : memref<10240x64xf32, #tpu.memory_space<vmem_shared>> -> memref<128x64xf32, #tpu.memory_space<vmem_shared>>
      %dma_wait3A_75 = arith.constant 0 : i32
      %dma_wait3A_76 = tpu.memref_slice %arg14[%add3A_50, %dma_wait3A_75] : memref<10240x64xf32, #tpu.memory_space<vmem_shared>> -> memref<128x64xf32, #tpu.memory_space<vmem_shared>>
      tpu.wait_dma2 semaphore(%run_scoped3A : memref<!tpu.dma_semaphore, #tpu.memory_space<semaphore_mem>>) src(%dma_wait3A_76 : memref<128x64xf32, #tpu.memory_space<vmem_shared>>) dst(%arg13 : memref<128x64xf32, #tpu.memory_space<vmem>>)
      tpu.yield
    }) : () -> ()
    %mul3A_51 = arith.constant 640 : i32
    %mul3A_52 = arith.muli %arg1, %mul3A_51 : i32
    %add3A_53 = arith.constant 256 : i32
    %add3A_54 = arith.addi %mul3A_52, %add3A_53 : i32
    "tpu.region"() ({
      %run_scoped3A = tpu.sem_alloc : memref<!tpu.dma_semaphore, #tpu.memory_space<semaphore_mem>>
      %dma_start3A = arith.constant 0 : i32
      %dma_start3A_71 = tpu.memref_slice %arg6[%arg0, %add3A_54, %dma_start3A] : memref<2x10240x64xf32, #tpu.memory_space<hbm>> -> memref<1x128x64xf32, #tpu.memory_space<hbm>>
      %dma_start3A_72 = tpu.memref_squeeze %dma_start3A_71 : memref<1x128x64xf32, #tpu.memory_space<hbm>> -> memref<128x64xf32, #tpu.memory_space<hbm>>
      %dma_start3A_73 = arith.constant 0 : i32
      %dma_start3A_74 = tpu.memref_slice %arg6[%arg0, %add3A_54, %dma_start3A_73] : memref<2x10240x64xf32, #tpu.memory_space<hbm>> -> memref<1x128x64xf32, #tpu.memory_space<hbm>>
      %dma_start3A_75 = tpu.memref_squeeze %dma_start3A_74 : memref<1x128x64xf32, #tpu.memory_space<hbm>> -> memref<128x64xf32, #tpu.memory_space<hbm>>
      tpu.enqueue_dma source(%arg13 : memref<128x64xf32, #tpu.memory_space<vmem>>) target(%dma_start3A_75 : memref<128x64xf32, #tpu.memory_space<hbm>>) target_semaphore(%run_scoped3A : memref<!tpu.dma_semaphore, #tpu.memory_space<semaphore_mem>>)
      %dma_wait3A = arith.constant 0 : i32
      %dma_wait3A_76 = tpu.memref_slice %arg6[%arg0, %add3A_54, %dma_wait3A] : memref<2x10240x64xf32, #tpu.memory_space<hbm>> -> memref<1x128x64xf32, #tpu.memory_space<hbm>>
      %dma_wait3A_77 = tpu.memref_squeeze %dma_wait3A_76 : memref<1x128x64xf32, #tpu.memory_space<hbm>> -> memref<128x64xf32, #tpu.memory_space<hbm>>
      %dma_wait3A_78 = arith.constant 0 : i32
      %dma_wait3A_79 = tpu.memref_slice %arg6[%arg0, %add3A_54, %dma_wait3A_78] : memref<2x10240x64xf32, #tpu.memory_space<hbm>> -> memref<1x128x64xf32, #tpu.memory_space<hbm>>
      %dma_wait3A_80 = tpu.memref_squeeze %dma_wait3A_79 : memref<1x128x64xf32, #tpu.memory_space<hbm>> -> memref<128x64xf32, #tpu.memory_space<hbm>>
      tpu.wait_dma2 semaphore(%run_scoped3A : memref<!tpu.dma_semaphore, #tpu.memory_space<semaphore_mem>>) src(%arg13 : memref<128x64xf32, #tpu.memory_space<vmem>>) dst(%dma_wait3A_80 : memref<128x64xf32, #tpu.memory_space<hbm>>)
      tpu.yield
    }) : () -> ()
    %mul3A_55 = arith.constant 640 : i32
    %mul3A_56 = arith.muli %arg1, %mul3A_55 : i32
    %add3A_57 = arith.constant 384 : i32
    %add3A_58 = arith.addi %mul3A_56, %add3A_57 : i32
    "tpu.region"() ({
      %run_scoped3A = tpu.sem_alloc : memref<!tpu.dma_semaphore, #tpu.memory_space<semaphore_mem>>
      %dma_start3A = arith.constant 0 : i32
      %dma_start3A_71 = tpu.memref_slice %arg14[%add3A_58, %dma_start3A] : memref<10240x64xf32, #tpu.memory_space<vmem_shared>> -> memref<128x64xf32, #tpu.memory_space<vmem_shared>>
      %dma_start3A_72 = arith.constant 0 : i32
      %dma_start3A_73 = tpu.memref_slice %arg14[%add3A_58, %dma_start3A_72] : memref<10240x64xf32, #tpu.memory_space<vmem_shared>> -> memref<128x64xf32, #tpu.memory_space<vmem_shared>>
      tpu.enqueue_dma source(%dma_start3A_73 : memref<128x64xf32, #tpu.memory_space<vmem_shared>>) target(%arg13 : memref<128x64xf32, #tpu.memory_space<vmem>>) target_semaphore(%run_scoped3A : memref<!tpu.dma_semaphore, #tpu.memory_space<semaphore_mem>>)
      %dma_wait3A = arith.constant 0 : i32
      %dma_wait3A_74 = tpu.memref_slice %arg14[%add3A_58, %dma_wait3A] : memref<10240x64xf32, #tpu.memory_space<vmem_shared>> -> memref<128x64xf32, #tpu.memory_space<vmem_shared>>
      %dma_wait3A_75 = arith.constant 0 : i32
      %dma_wait3A_76 = tpu.memref_slice %arg14[%add3A_58, %dma_wait3A_75] : memref<10240x64xf32, #tpu.memory_space<vmem_shared>> -> memref<128x64xf32, #tpu.memory_space<vmem_shared>>
      tpu.wait_dma2 semaphore(%run_scoped3A : memref<!tpu.dma_semaphore, #tpu.memory_space<semaphore_mem>>) src(%dma_wait3A_76 : memref<128x64xf32, #tpu.memory_space<vmem_shared>>) dst(%arg13 : memref<128x64xf32, #tpu.memory_space<vmem>>)
      tpu.yield
    }) : () -> ()
    %mul3A_59 = arith.constant 640 : i32
    %mul3A_60 = arith.muli %arg1, %mul3A_59 : i32
    %add3A_61 = arith.constant 384 : i32
    %add3A_62 = arith.addi %mul3A_60, %add3A_61 : i32
    "tpu.region"() ({
      %run_scoped3A = tpu.sem_alloc : memref<!tpu.dma_semaphore, #tpu.memory_space<semaphore_mem>>
      %dma_start3A = arith.constant 0 : i32
      %dma_start3A_71 = tpu.memref_slice %arg6[%arg0, %add3A_62, %dma_start3A] : memref<2x10240x64xf32, #tpu.memory_space<hbm>> -> memref<1x128x64xf32, #tpu.memory_space<hbm>>
      %dma_start3A_72 = tpu.memref_squeeze %dma_start3A_71 : memref<1x128x64xf32, #tpu.memory_space<hbm>> -> memref<128x64xf32, #tpu.memory_space<hbm>>
      %dma_start3A_73 = arith.constant 0 : i32
      %dma_start3A_74 = tpu.memref_slice %arg6[%arg0, %add3A_62, %dma_start3A_73] : memref<2x10240x64xf32, #tpu.memory_space<hbm>> -> memref<1x128x64xf32, #tpu.memory_space<hbm>>
      %dma_start3A_75 = tpu.memref_squeeze %dma_start3A_74 : memref<1x128x64xf32, #tpu.memory_space<hbm>> -> memref<128x64xf32, #tpu.memory_space<hbm>>
      tpu.enqueue_dma source(%arg13 : memref<128x64xf32, #tpu.memory_space<vmem>>) target(%dma_start3A_75 : memref<128x64xf32, #tpu.memory_space<hbm>>) target_semaphore(%run_scoped3A : memref<!tpu.dma_semaphore, #tpu.memory_space<semaphore_mem>>)
      %dma_wait3A = arith.constant 0 : i32
      %dma_wait3A_76 = tpu.memref_slice %arg6[%arg0, %add3A_62, %dma_wait3A] : memref<2x10240x64xf32, #tpu.memory_space<hbm>> -> memref<1x128x64xf32, #tpu.memory_space<hbm>>
      %dma_wait3A_77 = tpu.memref_squeeze %dma_wait3A_76 : memref<1x128x64xf32, #tpu.memory_space<hbm>> -> memref<128x64xf32, #tpu.memory_space<hbm>>
      %dma_wait3A_78 = arith.constant 0 : i32
      %dma_wait3A_79 = tpu.memref_slice %arg6[%arg0, %add3A_62, %dma_wait3A_78] : memref<2x10240x64xf32, #tpu.memory_space<hbm>> -> memref<1x128x64xf32, #tpu.memory_space<hbm>>
      %dma_wait3A_80 = tpu.memref_squeeze %dma_wait3A_79 : memref<1x128x64xf32, #tpu.memory_space<hbm>> -> memref<128x64xf32, #tpu.memory_space<hbm>>
      tpu.wait_dma2 semaphore(%run_scoped3A : memref<!tpu.dma_semaphore, #tpu.memory_space<semaphore_mem>>) src(%arg13 : memref<128x64xf32, #tpu.memory_space<vmem>>) dst(%dma_wait3A_80 : memref<128x64xf32, #tpu.memory_space<hbm>>)
      tpu.yield
    }) : () -> ()
    %mul3A_63 = arith.constant 640 : i32
    %mul3A_64 = arith.muli %arg1, %mul3A_63 : i32
    %add3A_65 = arith.constant 512 : i32
    %add3A_66 = arith.addi %mul3A_64, %add3A_65 : i32
    "tpu.region"() ({
      %run_scoped3A = tpu.sem_alloc : memref<!tpu.dma_semaphore, #tpu.memory_space<semaphore_mem>>
      %dma_start3A = arith.constant 0 : i32
      %dma_start3A_71 = tpu.memref_slice %arg14[%add3A_66, %dma_start3A] : memref<10240x64xf32, #tpu.memory_space<vmem_shared>> -> memref<128x64xf32, #tpu.memory_space<vmem_shared>>
      %dma_start3A_72 = arith.constant 0 : i32
      %dma_start3A_73 = tpu.memref_slice %arg14[%add3A_66, %dma_start3A_72] : memref<10240x64xf32, #tpu.memory_space<vmem_shared>> -> memref<128x64xf32, #tpu.memory_space<vmem_shared>>
      tpu.enqueue_dma source(%dma_start3A_73 : memref<128x64xf32, #tpu.memory_space<vmem_shared>>) target(%arg13 : memref<128x64xf32, #tpu.memory_space<vmem>>) target_semaphore(%run_scoped3A : memref<!tpu.dma_semaphore, #tpu.memory_space<semaphore_mem>>)
      %dma_wait3A = arith.constant 0 : i32
      %dma_wait3A_74 = tpu.memref_slice %arg14[%add3A_66, %dma_wait3A] : memref<10240x64xf32, #tpu.memory_space<vmem_shared>> -> memref<128x64xf32, #tpu.memory_space<vmem_shared>>
      %dma_wait3A_75 = arith.constant 0 : i32
      %dma_wait3A_76 = tpu.memref_slice %arg14[%add3A_66, %dma_wait3A_75] : memref<10240x64xf32, #tpu.memory_space<vmem_shared>> -> memref<128x64xf32, #tpu.memory_space<vmem_shared>>
      tpu.wait_dma2 semaphore(%run_scoped3A : memref<!tpu.dma_semaphore, #tpu.memory_space<semaphore_mem>>) src(%dma_wait3A_76 : memref<128x64xf32, #tpu.memory_space<vmem_shared>>) dst(%arg13 : memref<128x64xf32, #tpu.memory_space<vmem>>)
      tpu.yield
    }) : () -> ()
    %mul3A_67 = arith.constant 640 : i32
    %mul3A_68 = arith.muli %arg1, %mul3A_67 : i32
    %add3A_69 = arith.constant 512 : i32
    %add3A_70 = arith.addi %mul3A_68, %add3A_69 : i32
    "tpu.region"() ({
      %run_scoped3A = tpu.sem_alloc : memref<!tpu.dma_semaphore, #tpu.memory_space<semaphore_mem>>
      %dma_start3A = arith.constant 0 : i32
      %dma_start3A_71 = tpu.memref_slice %arg6[%arg0, %add3A_70, %dma_start3A] : memref<2x10240x64xf32, #tpu.memory_space<hbm>> -> memref<1x128x64xf32, #tpu.memory_space<hbm>>
      %dma_start3A_72 = tpu.memref_squeeze %dma_start3A_71 : memref<1x128x64xf32, #tpu.memory_space<hbm>> -> memref<128x64xf32, #tpu.memory_space<hbm>>
      %dma_start3A_73 = arith.constant 0 : i32
      %dma_start3A_74 = tpu.memref_slice %arg6[%arg0, %add3A_70, %dma_start3A_73] : memref<2x10240x64xf32, #tpu.memory_space<hbm>> -> memref<1x128x64xf32, #tpu.memory_space<hbm>>
      %dma_start3A_75 = tpu.memref_squeeze %dma_start3A_74 : memref<1x128x64xf32, #tpu.memory_space<hbm>> -> memref<128x64xf32, #tpu.memory_space<hbm>>
      tpu.enqueue_dma source(%arg13 : memref<128x64xf32, #tpu.memory_space<vmem>>) target(%dma_start3A_75 : memref<128x64xf32, #tpu.memory_space<hbm>>) target_semaphore(%run_scoped3A : memref<!tpu.dma_semaphore, #tpu.memory_space<semaphore_mem>>)
      %dma_wait3A = arith.constant 0 : i32
      %dma_wait3A_76 = tpu.memref_slice %arg6[%arg0, %add3A_70, %dma_wait3A] : memref<2x10240x64xf32, #tpu.memory_space<hbm>> -> memref<1x128x64xf32, #tpu.memory_space<hbm>>
      %dma_wait3A_77 = tpu.memref_squeeze %dma_wait3A_76 : memref<1x128x64xf32, #tpu.memory_space<hbm>> -> memref<128x64xf32, #tpu.memory_space<hbm>>
      %dma_wait3A_78 = arith.constant 0 : i32
      %dma_wait3A_79 = tpu.memref_slice %arg6[%arg0, %add3A_70, %dma_wait3A_78] : memref<2x10240x64xf32, #tpu.memory_space<hbm>> -> memref<1x128x64xf32, #tpu.memory_space<hbm>>
      %dma_wait3A_80 = tpu.memref_squeeze %dma_wait3A_79 : memref<1x128x64xf32, #tpu.memory_space<hbm>> -> memref<128x64xf32, #tpu.memory_space<hbm>>
      tpu.wait_dma2 semaphore(%run_scoped3A : memref<!tpu.dma_semaphore, #tpu.memory_space<semaphore_mem>>) src(%arg13 : memref<128x64xf32, #tpu.memory_space<vmem>>) dst(%dma_wait3A_80 : memref<128x64xf32, #tpu.memory_space<hbm>>)
      tpu.yield
    }) : () -> ()
    return
  }
}

module attributes {stable_mosaic.version = 14 : i64} {
  func.func @_msg_body(%arg0: memref<10000x128xf32, #tpu.memory_space<vmem>>, %arg1: memref<128x128xf32, #tpu.memory_space<vmem>>, %arg2: memref<1x128xf32, #tpu.memory_space<vmem>>, %arg3: memref<128x128xf32, #tpu.memory_space<vmem>>, %arg4: memref<1x128xf32, #tpu.memory_space<vmem>>, %arg5: memref<32x2x10240xf32, #tpu.memory_space<vmem>>, %arg6: memref<10000x64xf32, #tpu.memory_space<vmem>>, %arg7: memref<10000x64xf32, #tpu.memory_space<vmem>>) attributes {dimension_semantics = [], scalar_prefetch = 0 : i64, scratch_operands = 0 : i64, tpu.core_type = #tpu.core_type<tc>} {
    %get3A = arith.constant 0 : index
    %get3A_0 = arith.constant 0 : index
    %get3A_1 = arith.constant 0 : index
    %get3A_2 = vector.load %arg5[%get3A, %get3A_0, %get3A_1] : memref<32x2x10240xf32, #tpu.memory_space<vmem>>, vector<32x1x10000xf32>
    %get3A_3 = vector.shape_cast %get3A_2 : vector<32x1x10000xf32> to vector<32x10000xf32>
    %reduce_sum3A = arith.constant dense<0.000000e+00> : vector<10000xf32>
    %reduce_sum3A_4 = vector.multi_reduction <add>, %get3A_3, %reduce_sum3A [0] : vector<32x10000xf32> to vector<10000xf32>
    %max3A = arith.constant 1.000000e+00 : f32
    %max3A_5 = vector.broadcast %max3A : f32 to vector<10000xf32>
    %max3A_6 = arith.maximumf %reduce_sum3A_4, %max3A_5 : vector<10000xf32>
    %rsqrt3A = math.rsqrt %max3A_6 : vector<10000xf32>
    %get3A_7 = arith.constant 0 : index
    %get3A_8 = arith.constant 0 : index
    %get3A_9 = vector.load %arg0[%get3A_7, %get3A_8] : memref<10000x128xf32, #tpu.memory_space<vmem>>, vector<10000x128xf32>
    %get3A_10 = arith.constant 0 : index
    %get3A_11 = arith.constant 0 : index
    %get3A_12 = vector.load %arg1[%get3A_10, %get3A_11] : memref<128x128xf32, #tpu.memory_space<vmem>>, vector<128x128xf32>
    %dot_general3A = arith.constant dense<0.000000e+00> : vector<10000x128xf32>
    %dot_general3A_13 = tpu.matmul %get3A_9, %get3A_12, %dot_general3A {dimension_numbers = #tpu.dot_dimension_numbers<[1], [0], [0], [1], [0, 0, 1, 1], [], []>, transpose_lhs_hint = false} : vector<10000x128xf32>, vector<128x128xf32>, vector<10000x128xf32> -> vector<10000x128xf32>
    %get3A_14 = arith.constant 0 : index
    %get3A_15 = arith.constant 0 : index
    %get3A_16 = vector.load %arg2[%get3A_14, %get3A_15] : memref<1x128xf32, #tpu.memory_space<vmem>>, vector<1x128xf32>
    %add3A = vector.broadcast %get3A_16 : vector<1x128xf32> to vector<10000x128xf32>
    %add3A_17 = arith.addf %dot_general3A_13, %add3A : vector<10000x128xf32>
    %get3A_18 = arith.constant 0 : index
    %get3A_19 = arith.constant 0 : index
    %get3A_20 = vector.load %arg3[%get3A_18, %get3A_19] : memref<128x128xf32, #tpu.memory_space<vmem>>, vector<128x128xf32>
    %dot_general3A_21 = arith.constant dense<0.000000e+00> : vector<10000x128xf32>
    %dot_general3A_22 = tpu.matmul %add3A_17, %get3A_20, %dot_general3A_21 {dimension_numbers = #tpu.dot_dimension_numbers<[1], [0], [0], [1], [0, 0, 1, 1], [], []>, transpose_lhs_hint = false} : vector<10000x128xf32>, vector<128x128xf32>, vector<10000x128xf32> -> vector<10000x128xf32>
    %get3A_23 = arith.constant 0 : index
    %get3A_24 = arith.constant 0 : index
    %get3A_25 = vector.load %arg4[%get3A_23, %get3A_24] : memref<1x128xf32, #tpu.memory_space<vmem>>, vector<1x128xf32>
    %add3A_26 = vector.broadcast %get3A_25 : vector<1x128xf32> to vector<10000x128xf32>
    %add3A_27 = arith.addf %dot_general3A_22, %add3A_26 : vector<10000x128xf32>
    %broadcast_in_dim3A = vector.shape_cast %rsqrt3A : vector<10000xf32> to vector<10000x1xf32>
    %mul3A = vector.broadcast %broadcast_in_dim3A : vector<10000x1xf32> to vector<10000x128xf32>
    %mul3A_28 = arith.mulf %add3A_27, %mul3A : vector<10000x128xf32>
    %slice3A = vector.extract_strided_slice %mul3A_28 {offsets = [0, 0], sizes = [10000, 64], strides = [1, 1]} : vector<10000x128xf32> to vector<10000x64xf32>
    %swap3A = arith.constant 0 : index
    %swap3A_29 = arith.constant 0 : index
    %swap3A_30 = vector.load %arg6[%swap3A, %swap3A_29] : memref<10000x64xf32, #tpu.memory_space<vmem>>, vector<10000x64xf32>
    tpu.vector_store %arg6[%swap3A, %swap3A_29], %slice3A {strides = array<i32>} : memref<10000x64xf32, #tpu.memory_space<vmem>>, vector<10000x64xf32>,
    %slice3A_31 = vector.extract_strided_slice %mul3A_28 {offsets = [0, 64], sizes = [10000, 64], strides = [1, 1]} : vector<10000x128xf32> to vector<10000x64xf32>
    %swap3A_32 = arith.constant 0 : index
    %swap3A_33 = arith.constant 0 : index
    %swap3A_34 = vector.load %arg7[%swap3A_32, %swap3A_33] : memref<10000x64xf32, #tpu.memory_space<vmem>>, vector<10000x64xf32>
    tpu.vector_store %arg7[%swap3A_32, %swap3A_33], %slice3A_31 {strides = array<i32>} : memref<10000x64xf32, #tpu.memory_space<vmem>>, vector<10000x64xf32>,
    return
  }
}

module attributes {stable_mosaic.version = 14 : i64} {
  func.func @_out_body(%arg0: memref<2x10240x64xf32, #tpu.memory_space<vmem>>, %arg1: memref<32x2x10240xf32, #tpu.memory_space<vmem>>, %arg2: memref<128x128xf32, #tpu.memory_space<vmem>>, %arg3: memref<1x128xf32, #tpu.memory_space<vmem>>, %arg4: memref<10000x128xf32, #tpu.memory_space<vmem>>) attributes {dimension_semantics = [], scalar_prefetch = 0 : i64, scratch_operands = 0 : i64, tpu.core_type = #tpu.core_type<tc>} {
    %get3A = arith.constant 0 : index
    %get3A_0 = arith.constant 1 : index
    %get3A_1 = arith.constant 0 : index
    %get3A_2 = vector.load %arg1[%get3A, %get3A_0, %get3A_1] : memref<32x2x10240xf32, #tpu.memory_space<vmem>>, vector<32x1x10000xf32>
    %get3A_3 = vector.shape_cast %get3A_2 : vector<32x1x10000xf32> to vector<32x10000xf32>
    %reduce_sum3A = arith.constant dense<0.000000e+00> : vector<10000xf32>
    %reduce_sum3A_4 = vector.multi_reduction <add>, %get3A_3, %reduce_sum3A [0] : vector<32x10000xf32> to vector<10000xf32>
    %max3A = arith.constant 1.000000e+00 : f32
    %max3A_5 = vector.broadcast %max3A : f32 to vector<10000xf32>
    %max3A_6 = arith.maximumf %reduce_sum3A_4, %max3A_5 : vector<10000xf32>
    %rsqrt3A = math.rsqrt %max3A_6 : vector<10000xf32>
    %get3A_7 = arith.constant 0 : index
    %get3A_8 = arith.constant 0 : index
    %get3A_9 = arith.constant 0 : index
    %get3A_10 = vector.load %arg0[%get3A_7, %get3A_8, %get3A_9] : memref<2x10240x64xf32, #tpu.memory_space<vmem>>, vector<1x10000x64xf32>
    %get3A_11 = vector.shape_cast %get3A_10 : vector<1x10000x64xf32> to vector<10000x64xf32>
    %get3A_12 = arith.constant 1 : index
    %get3A_13 = arith.constant 0 : index
    %get3A_14 = arith.constant 0 : index
    %get3A_15 = vector.load %arg0[%get3A_12, %get3A_13, %get3A_14] : memref<2x10240x64xf32, #tpu.memory_space<vmem>>, vector<1x10000x64xf32>
    %get3A_16 = vector.shape_cast %get3A_15 : vector<1x10000x64xf32> to vector<10000x64xf32>
    %concatenate3A = tpu.concatenate %get3A_11, %get3A_16 in 1 : vector<10000x64xf32>, vector<10000x64xf32> -> vector<10000x128xf32>
    %broadcast_in_dim3A = vector.shape_cast %rsqrt3A : vector<10000xf32> to vector<10000x1xf32>
    %mul3A = vector.broadcast %broadcast_in_dim3A : vector<10000x1xf32> to vector<10000x128xf32>
    %mul3A_17 = arith.mulf %concatenate3A, %mul3A : vector<10000x128xf32>
    %get3A_18 = arith.constant 0 : index
    %get3A_19 = arith.constant 0 : index
    %get3A_20 = vector.load %arg2[%get3A_18, %get3A_19] : memref<128x128xf32, #tpu.memory_space<vmem>>, vector<128x128xf32>
    %dot_general3A = arith.constant dense<0.000000e+00> : vector<10000x128xf32>
    %dot_general3A_21 = tpu.matmul %mul3A_17, %get3A_20, %dot_general3A {dimension_numbers = #tpu.dot_dimension_numbers<[1], [0], [0], [1], [0, 0, 1, 1], [], []>, transpose_lhs_hint = false} : vector<10000x128xf32>, vector<128x128xf32>, vector<10000x128xf32> -> vector<10000x128xf32>
    %get3A_22 = arith.constant 0 : index
    %get3A_23 = arith.constant 0 : index
    %get3A_24 = vector.load %arg3[%get3A_22, %get3A_23] : memref<1x128xf32, #tpu.memory_space<vmem>>, vector<1x128xf32>
    %add3A = vector.broadcast %get3A_24 : vector<1x128xf32> to vector<10000x128xf32>
    %add3A_25 = arith.addf %dot_general3A_21, %add3A : vector<10000x128xf32>
    %mul3A_26 = arith.constant 5.000000e-01 : f32
    %mul3A_27 = vector.broadcast %mul3A_26 : f32 to vector<10000x128xf32>
    %mul3A_28 = arith.mulf %add3A_25, %mul3A_27 : vector<10000x128xf32>
    %mul3A_29 = arith.constant 0.707106769 : f32
    %mul3A_30 = vector.broadcast %mul3A_29 : f32 to vector<10000x128xf32>
    %mul3A_31 = arith.mulf %add3A_25, %mul3A_30 : vector<10000x128xf32>
    %erf3A = math.erf %mul3A_31 : vector<10000x128xf32>
    %add3A_32 = arith.constant 1.000000e+00 : f32
    %add3A_33 = vector.broadcast %add3A_32 : f32 to vector<10000x128xf32>
    %add3A_34 = arith.addf %add3A_33, %erf3A : vector<10000x128xf32>
    %mul3A_35 = arith.mulf %mul3A_28, %add3A_34 : vector<10000x128xf32>
    %swap3A = arith.constant 0 : index
    %swap3A_36 = arith.constant 0 : index
    %swap3A_37 = vector.load %arg4[%swap3A, %swap3A_36] : memref<10000x128xf32, #tpu.memory_space<vmem>>, vector<10000x128xf32>
    tpu.vector_store %arg4[%swap3A, %swap3A_36], %mul3A_35 {strides = array<i32>} : memref<10000x128xf32, #tpu.memory_space<vmem>>, vector<10000x128xf32>,
    return
  }
}

</mosaic_0001>

<sc_bundles>
// kernel: kernel.6.cloned.1.call-start
scs
__scs_entry_jumppad:
0x0: {  	(pc) =	sbr.rel $0x88, $3  }
0x1: {  	(tag) =	ssettag $0x0;
	lr =	simm.s32 $0x1  }
0x2: {  	[smem:$0x3F99] =	sst lr;
	_ =	strace $0xD0000000  }
0x3: {  	_ = 	snop  }
0x4: {  	_ = 	snop  }
0x5: {  	_ = 	snop  }
0x6: {  	_ = 	snop  }
0x7: {  	_ = 	snop  }
__scs_overlays_trampoline_lowered:
0x8: {  	[smem:$0x3FA8] =	sst s0  }
0x9: {  	[smem:$0x3FA9] =	sst s1  }
0xa: {  	[smem:$0x3FAA] =	sst s2  }
0xb: {  	[smem:$0x3FAB] =	sst s3  }
0xc: {  	[smem:$0x3FAC] =	sst s4  }
0xd: {  	[smem:$0x3FAD] =	sst s5  }
0xe: {  	[smem:$0x3FAE] =	sst s6  }
0xf: {  	[smem:$0x3FAF] =	sst s7  }
0x10: {  	[smem:$0x3FB0] =	sst s8  }
0x11: {  	[smem:$0x3FB1] =	sst s9;
	s0 =	simm.s32 @!p0 $0x0  }
0x12: {  	s1 =	sld [smem:$0x3F97];
	s0 =	simm.s32 @p0 $0x1  }
0x13: {  	[smem:$0x3FB2] =	sst s0;
	s0 =	simm.s32 @!p1 $0x0  }
0x14: {  	s2 =	sld [smem:$0x3F96];
	s0 =	simm.s32 @p1 $0x1  }
0x15: {  	[smem:$0x3FB3] =	sst s0;
	s0 =	simm.s32 @!p2 $0x0  }
0x16: {  	s3 =	sld [smem:$0x3FDB];
	s0 =	simm.s32 @p2 $0x1  }
0x17: {  	s4 =	simm.s32 $0x1BF5;
	[smem:$0x3FB5] =	sst s0  }
0x18: {  	s0 =	sld [smem:$0x3F98];
	_ =	swait.ge [sflag:s4], $0x0  }
0x19: {  	s7 =	sld [smem:$0x3F99]  }
0x1a: {  	s8 =	sadd.s32 $0xFFFFE003, lr  }
0x1b: {  	s9 =	sadd.s32 $0xFFFFFEF7, lr;
	s5 =	simm.s32 $0xFFFFFFFF;
	p2 =	slt.u32 s8, $0xFFFFF086  }
0x1c: {  	p1 =	slt.u32 s9, $0xF7A;
	s5 =	simm.s32 @!p2 $0x0  }
0x1d: {  	s5 =	simm.s32 @p1 $0x1;
	p0 =	seq.s32 s7, s2  }
0x1e: {  	s7 =	smul.u32 @!p0 $0xF7A, s2;
	p2 =	seq.s32 @!p0 s5, $0x0  }
0x1f: {  	s9 =	smul.u32 $0xF7A, s1;
	s8 =	simm.s32 @!p0 $0x1BF5;
	p2 =	por !p2, p0  }
0x20: {  	[sflag:s8] =	ssyncset.s32 @!p0 $0xFFFFF086;
	s6 =	sadd.s32 @!p0 s3, s7;
	s7 =	simm.s32 @!p0 $0x108  }
0x21: {  	s3 =	sadd.s32 s3, s9;
	s6 =	sadd.s32 @!p0 $0x88, s6;
	s7 =	simm.s32 @p2 $0x1082  }
0x22: {  	[simem:s7], [sflag:s8] =	dma.local @!p0 [hbm:s6], $0xF7A  }
0x23: {  	s9 =	sor.u32 $0xD0000000, s2;
	s6 =	simm.s32 $0x108;
	_ =	swait.ge @!p0 [sflag:s8], $0x0  }
0x24: {  	s3 =	sadd.s32 $0x88, s3;
	s6 =	simm.s32 @!p1 $0x1082;
	[sflag:s4] =	ssyncset.s32 $0xFFFFF086  }
0x25: {  	[simem:s6], [sflag:s4] =	dma.local [hbm:s3], $0xF7A  }
0x26: {  	[smem:$0x3F99] =	sst s1;
	(tag) =	ssettag s2;
	_ =	strace s9  }
0x27: {  	s1 =	sld [smem:$0x3FA9]  }
0x28: {  	s2 =	sld [smem:$0x3FAA]  }
0x29: {  	s4 =	sld [smem:$0x3FAC]  }
0x2a: {  	p0 =	seq.s32 s5, $0x0;
	s5 =	sld [smem:$0x3FAD]  }
0x2b: {  	s6 =	sld [smem:$0x3FAE]  }
0x2c: {  	s7 =	sld [smem:$0x3FAF]  }
0x2d: {  	s3 =	simm.s32 $0x108;
	s8 =	sld [smem:$0x3FB0]  }
0x2e: {  	s3 =	simm.s32 @!p0 $0x1082;
	s9 =	sld [smem:$0x3FB1]  }
0x2f: {  	lr =	sadd.s32 s0, s3;
	s0 =	sld [smem:$0x3FA8]  }
0x30: {  	s3 =	sld [smem:$0x3FAB]  }
0x31: {  	[smem:$0x3FB4] =	sst s10  }
0x32: {  	s10 =	sld [smem:$0x3FB2];
	_ =	sdelay $0x3  }
0x33: {  	p0 =	seq.s32 s10, $0x1;
	s10 =	sld [smem:$0x3FB4];
	_ =	sdelay $0x3  }
0x34: {  	[smem:$0x3FB4] =	sst s10  }
0x35: {  	s10 =	sld [smem:$0x3FB3];
	_ =	sdelay $0x3  }
0x36: {  	p1 =	seq.s32 s10, $0x1;
	s10 =	sld [smem:$0x3FB4];
	_ =	sdelay $0x3  }
0x37: {  	[smem:$0x3FB4] =	sst s10  }
0x38: {  	s10 =	sld [smem:$0x3FB5]  }
0x39: {  	_ = 	snop;
	(pc) =	sbr.ind lr, $3  }
0x3a: {  	_ = 	snop  }
0x3b: {  	_ = 	snop  }
0x3c: {  	p2 =	seq.s32 s10, $0x1;
	s10 =	sld [smem:$0x3FB4]  }
0x3d: {  	_ =	shalt  }
0x3e: {  	_ =	shalt  }
0x3f: {  	_ =	shalt  }
0x40: {  	_ =	shalt  }
0x41: {  	_ =	shalt  }
0x42: {  	_ =	shalt  }
0x43: {  	_ =	shalt  }
0x44: {  	_ =	shalt  }
0x45: {  	_ =	shalt  }
0x46: {  	_ =	shalt  }
0x47: {  	_ =	shalt  }
0x48: {  	_ =	shalt  }
0x49: {  	_ =	shalt  }
0x4a: {  	_ =	shalt  }
0x4b: {  	_ =	shalt  }
0x4c: {  	_ =	shalt  }
0x4d: {  	_ =	shalt  }
0x4e: {  	_ =	shalt  }
0x4f: {  	_ =	shalt  }
0x50: {  	_ =	shalt  }
0x51: {  	_ =	shalt  }
0x52: {  	_ =	shalt  }
0x53: {  	_ =	shalt  }
0x54: {  	_ =	shalt  }
0x55: {  	_ =	shalt  }
0x56: {  	_ =	shalt  }
0x57: {  	_ =	shalt  }
0x58: {  	_ =	shalt  }
0x59: {  	_ =	shalt  }
0x5a: {  	_ =	shalt  }
0x5b: {  	_ =	shalt  }
0x5c: {  	_ =	shalt  }
0x5d: {  	_ =	shalt  }
0x5e: {  	_ =	shalt  }
0x5f: {  	_ =	shalt  }
0x60: {  	_ =	shalt  }
0x61: {  	_ =	shalt  }
0x62: {  	_ =	shalt  }
0x63: {  	_ =	shalt  }
0x64: {  	_ =	shalt  }
0x65: {  	_ =	shalt  }
0x66: {  	_ =	shalt  }
0x67: {  	_ =	shalt  }
0x68: {  	_ =	shalt  }
0x69: {  	_ =	shalt  }
0x6a: {  	_ =	shalt  }
0x6b: {  	_ =	shalt  }
0x6c: {  	_ =	shalt  }
0x6d: {  	_ =	shalt  }
0x6e: {  	_ =	shalt  }
0x6f: {  	_ =	shalt  }
0x70: {  	_ =	shalt  }
0x71: {  	_ =	shalt  }
0x72: {  	_ =	shalt  }
0x73: {  	_ =	shalt  }
0x74: {  	_ =	shalt  }
0x75: {  	_ =	shalt  }
0x76: {  	_ =	shalt  }
0x77: {  	_ =	shalt  }
0x78: {  	_ =	shalt  }
0x79: {  	_ =	shalt  }
0x7a: {  	_ =	shalt  }
0x7b: {  	_ =	shalt  }
0x7c: {  	_ =	shalt  }
0x7d: {  	_ =	shalt  }
0x7e: {  	_ =	shalt  }
0x7f: {  	_ =	shalt  }
0x80: {  	_ =	shalt  }
0x81: {  	_ =	shalt  }
0x82: {  	_ =	shalt  }
0x83: {  	_ =	shalt  }
0x84: {  	_ =	shalt  }
0x85: {  	_ =	shalt  }
0x86: {  	_ =	shalt  }
0x87: {  	_ =	shalt  }
.Lfunc_end0:
.L_simem_size_0:
called_computation_lowered:
.L_overlay_start_0:
0x88: {  	s2 =	sld [smem:$0x3FD9]  }
0x89: {  	s3 =	sld [smem:$0x3FFE];
	_ =	sdelay $0x1  }
0x8a: {  	s1 =	srdreg.scid  }
0x8b: {  	s0 =	sand.u32 $0x1, s1  }
0x8c: {  	s17 =	sshll.u32 s0, $0xA;
	s2 =	sadd.s32 s3, s2  }
0x8d: {  	s2 =	sadd.s32 s2, s17  }
0x8e: {  	[smem:$0x3FC0] =	sst s2  }
0x8f: {  	_ = 	snop  }
0x90: {  	s2 =	sld [smem:$0x3FD0];
	(tm) =	ssettm $0x1  }
0x91: {  	s18 =	sld [smem:$0x3FFB];
	_ =	sdelay $0x3  }
0x92: {  	_ =	strace s18  }
0x93: {  	s3 =	sld [smem:$0x3FFC];
	_ =	sdelay $0x3  }
0x94: {  	_ =	strace s3  }
0x95: {  	s3 =	sld [smem:$0x3FFD];
	_ =	sdelay $0x3  }
0x96: {  	_ =	strace s3  }
0x97: {  	_ =	strace $0x8FFFFFFF  }
0x98: {  	s19 =	sld [smem:$0x3FDB];
	_ =	sdelay $0x1  }
0x99: {  	s4 =	simm.s32 $_scs_section_size  }
0x9a: {  	s5 =	simm.s32 $_size__tile_overlayer_lowered;
	s6 =	simm.s32 $_tile_overlayer_lowered  }
0x9b: {  	s22 =	simm.s32 $0x1BFF;
	s21 =	sshll.u32 s6, $0x1;
	s3 =	sadd.s32 s4, s19  }
0x9c: {  	s7 =	simm.s32 $0x0;
	s20 =	sshll.u32 s5, $0x1;
	s5 =	sadd.s32 s21, s3  }
0x9d: {  	[timem:s7], [sflag:s22] =	dma.local [hbm:s5], s20  }
0x9e: {  	_ =	swait.ge [sflag:s22], s20  }
0x9f: {  	s4 =	ssub.s32 $0x0, s20;
	[sflag:s22] =	ssyncset.done $0x0  }
0xa0: {  	[sflag:s22] =	ssyncadd.s32 s4;
	_ =	sdelay $0x1  }
0xa1: {  	s23 =	simm.s32 $0x1B8B  }
0xa2: {  	_ =	swait.ge [sflag:s23], $0x1  }
0xa3: {  	[sflag:s23] =	ssyncset.done $0x0  }
0xa4: {  	s25 =	simm.s32 $0x1B8E;
	s24 =	sld [smem:$0x3FFE];
	[sflag:s23] =	ssyncadd.s32 $0xFFFFFFFF  }
0xa5: {  	s26 =	simm.s32 $execute0_lowered;
	[smem:$0x3FD2] =	sst s25  }
0xa6: {  	s5 =	sshll.u32 s26, $0x1;
	_ =	strace $0x80000046;
	[dreg:$0x1] =	wrdreg $0xFFFFFFFF  }
0xa7: {  	s28 =	simm.s32 $_size_execute0_lowered;
	s3 =	sadd.s32 s3, s5;
	[dreg:$0x0] =	wrdreg $0x0  }
0xa8: {  	s5 =	sshll.u32 s28, $0x1;
	[dreg:$0x2] =	wrdreg s3  }
0xa9: {  	[dreg:$0x3] =	wrdreg s5  }
0xaa: {  	[dreg:$0x4] =	wrdreg $0xC0  }
0xab: {  	_ =	task [dreg:s7], $0x5FFFF  }
0xac: {  	[dreg:$0x1] =	wrdreg $0xFFFFFFFF  }
0xad: {  	[dreg:$0x0] =	wrdreg $0x60  }
0xae: {  	[dreg:$0x2] =	wrdreg s24  }
0xaf: {  	[dreg:$0x3] =	wrdreg s2  }
0xb0: {  	[dreg:$0x4] =	wrdreg $0x9  }
0xb1: {  	_ =	task.clear_ibuf [dreg:s7], $0x5FFFF;
	_ =	strace $0x90000046  }
0xb2: {  	s29 =	simm.s32 $0x9;
	_ =	strace $0x80000048  }
0xb3: {  	_ =	swait.ge [sflag:s29], $0x1  }
0xb4: {  	[sflag:s29] =	ssyncadd.s32 $0xFFFFFFFF  }
0xb5: {  	_ =	strace $0x90000048  }
0xb6: {  	_ =	sfence  }
0xb7: {  	s30 =	sld [smem:$0x0];
	_ =	sdelay $0x2  }
0xb8: {  	s31 =	sshll.u32 s1, $0xD;
	s1 =	sshrl.u32 s1, $0x2  }
0xb9: {  	s3 =	sand.u32 $0x4000, s31;
	s1 =	sadd.s32 s1, s30  }
0xba: {  	s0 =	sor.u32 s3, s0;
	s1 =	sshll.u32 s1, $0x11  }
0xbb: {  	s0 =	sor.u32 s1, s0  }
0xbc: {  	s0 =	sadd.s32 $0x8F2B, s0  }
0xbd: {  	[sflag:s0] =	ssyncadd.remote.s32 $0x1  }
0xbe: {  	_ =	sfence.sel $0xFFFF  }
0xbf: {  	[dreg:$0x0] =	wrdreg $0xFFFFFFFF;
	(pc) =	sbr.abs _section_cstart, $3  }
0xc0: {  	[dreg:$0x1] =	wrdreg $0xFFFFFFFF  }
0xc1: {  	_ =	task.clear_ibuf [dreg:s7], $0x2FFFF;
	_ =	strace $0x9FFFFFFF  }
0xc2: {  	(tm) =	ssettm $0x7FFFFFFF  }
0xc3: {  	_ =	shalt  }
tec
execute0_lowered:
.L_overlay_start_1:
0x0: {  	(tag) =	ssettag $0x1  }
0x1: {  	s0 =	srdreg.scid;
	s4 =	rddreg [dreg:$0x0]  }
0x2: {  	s5 =	rddreg [dreg:$0x1];
	s2 =	simm.s32 $0x0;
	s3 =	sand.u32 $0x1, s0  }
0x3: {  	s9 =	simm.s32 $0x400;
	s0 =	stileid.u32;
	s1 =	sshll.u32 s3, $0x4  }
0x4: {  	s10 =	simm.s32 $0x1;
	s11 =	simm.s32 $0x2780;
	s6 =	sor.u32 s0, s1  }
0x5: {  	s12 =	simm.s32 $0x4F00;
	s13 =	simm.s32 $0x7700;
	s7 =	sshrl.u32 s6, $0x3  }
0x6: {  	s14 =	simm.s32 $0x100;
	s8 =	sshll.u32 s0, $0x7;
	s7 =	smul.u32 $0x13C00, s7  }
0x7: {  	s15 =	simm.s32 $0x0;
	[smem:$0x7FF] =	sst s2;
	s8 =	sand.u32 $0x380, s8  }
0x8: {  	s3 =	ssub.s32 $0x2, s3;
	s6 =	smul.u32 $0xA00, s6;
	s7 =	sor.u32 s8, s7  }
0x9: {  	s1 =	rddreg [dreg:$0x2];
	s31 =	sshrl.u32 s3, $0x1;
	s7 =	sshrl.u32 s7, $0x3  }
0xa: {  	s8 =	ssub.s32 s3, s31;
	s3 =	sadd.s32 s5, s6;
	s7 =	sadd.s32 s7, s4  }
0xb: {  	_ =	strace $0x80000047;
	s6 =	sadd.s32 $0x10, s3;
	s4 =	sadd.s32 $0xB600, s7  }
0xc: {  	v0 =	vimm.f32 $0.0e+00;
	v1 =	vimm.f32 $1.000000000e+00;
	s5 =	sadd.s32 $0x1800, s7;
	s7 =	smax.u32 s8, $0x1;
	s8 =	simm.s32 $0x80  }
.LBB2_1:
0xd: {  	[tilespmem:s2], [sflag:$0x1] =	stream.strided.gather [hbm4b:s4+s8], $0x2780, s9, s8, $0x38;
	[tilespmem:$0x9F00] =	vst v63  }
0xe: {  	_ =	swait.ge [sflag:s10], $0x2780  }
0xf: {  	[sflag:s10] =	ssyncset.done $0x0  }
0x10: {  	[sflag:s10] =	ssyncadd.s32 $0xFFFFD880  }
0x11: {  	[tilespmem:s11], [sflag:$0x1] =	stream.strided.gather [hbm4b:s5+s8], $0x2780, s9, s8, $0x38;
	[tilespmem:$0x9F00] =	vst v63  }
0x12: {  	_ =	swait.ge [sflag:s10], $0x2780  }
0x13: {  	[sflag:s10] =	ssyncset.done $0x0  }
0x14: {  	s16 =	simm.s32 $0x0;
	[sflag:s10] =	ssyncadd.s32 $0xFFFFD880  }
.LBB2_2:
0x15: {  	p0 =	sne.s32 s16, $0x9FC0  }
.Ltmp0:
0x16: {  	_ = 	snop;
	(pc) =	sbr.rel @p0 .LBB2_2-.Ltmp0, $4  }
0x17: {  	_ = 	snop  }
0x18: {  	s17 =	sshra.s32 s16, $0x2  }
0x19: {  	[tilespmem:s17+$0x4F00] =	vst v0  }
0x1a: {  	s16 =	sadd.s32 $0x40, s16;
	[tilespmem:s17+$0x7700] =	vst v0  }
0x1b: {  	s17 =	simm.s32 $0x0  }
0x1c: {  	s16 =	simm.s32 $0x40;
	v2 =	vld [tilespmem:s17+$0x0]  }
.LBB2_4:
0x1d: {  	p0 =	sne.s32 s16, $0x9C00;
	v3 =	vld [tilespmem:s17+$0x2780];
	_ =	sdelay $0x4  }
.Ltmp1:
0x1e: {  	(pc) =	sbr.rel @p0 .LBB2_4-.Ltmp1, $4  }
0x1f: {  	_ = 	snop  }
0x20: {  	[tilespmem:v2+s12+$0x0] =	vst.idx.add.f32.msk $0xffff, v1  }
0x21: {  	s17 =	sshra.s32 s16, $0x2;
	[tilespmem:v3+s13+$0x0] =	vst.idx.add.f32.msk $0xffff, v1  }
0x22: {  	s16 =	sadd.s32 $0x40, s16;
	v2 =	vld [tilespmem:s17+$0x0]  }
0x23: {  	_ = 	snop  }
0x24: {  	v3 =	vld [tilespmem:s17+$0x2780];
	_ =	sdelay $0x6  }
0x25: {  	[tilespmem:v2+s12+$0x0] =	vst.idx.add.f32.msk $0xffff, v1  }
0x26: {  	[tilespmem:v3+s13+$0x0] =	vst.idx.add.f32.msk $0xffff, v1  }
0x27: {  	[hbm4b:s3+s8] =	stream.strided.scatter [tilespmem:s12], [sflag:$0x1], $0x2800, s14, s8, $0x38;
	[tilespmem:$0x9F00] =	vst v63  }
0x28: {  	s15 =	sadd.s32 $0x1, s15;
	_ =	swait.ge [sflag:s10], $0x2800  }
0x29: {  	p0 =	sne.s32 s15, s7;
	[sflag:s10] =	ssyncset.done $0x0  }
.Ltmp2:
0x2a: {  	[sflag:s10] =	ssyncadd.s32 $0xFFFFD800;
	(pc) =	sbr.rel @p0 .LBB2_1-.Ltmp2, $4  }
0x2b: {  	[hbm4b:s6+s8] =	stream.strided.scatter [tilespmem:s13], [sflag:$0x1], $0x2800, s14, s8, $0x38;
	[tilespmem:$0x9F00] =	vst v63  }
0x2c: {  	_ =	swait.ge [sflag:s10], $0x2800  }
0x2d: {  	[sflag:s10] =	ssyncset.done $0x0  }
0x2e: {  	[sflag:s10] =	ssyncadd.s32 $0xFFFFD800  }
0x2f: {  	_ =	sfence.sel $0x180000  }
0x30: {  	[bflag:$0x0] =	sbarrier.arrive $0xFFFF  }
0x31: {  	p0 =	sne.s32 s0, $0x0;
	_ =	strace $0x90000047  }
0x32: {  	s0 =	sadd.s32 @!p0 $0x100000, s1;
	[bflag:$0x2] =	sbarrier.arrive $0xFFFF  }
0x33: {  	[sflag:s0] =	ssyncadd.tile.s32 @!p0 $0x1;
	_ =	shalt  }
.Lfunc_end2:
_tile_overlayer_lowered:
.L_overlay_start_2:
0x34: {  	(tag) =	ssettag $0x2  }
0x35: {  	s0 =	rddreg [dreg:$0x0];
	s2 =	stileid.u32  }
0x36: {  	s1 =	rddreg [dreg:$0x1];
	p0 =	sne.s32 s2, $0x0  }
0x37: {  	s3 =	rddreg [dreg:$0x2];
	[bflag:$0x3] =	sbarrier.arrive $0xFFFF;
	s2 =	simm.s32 @!p0 $0x1C01  }
0x38: {  	[timem:s3], [sflag:s2] =	dma.local @!p0 [hbm:s0], s1  }
0x39: {  	s0 =	simm.s32 @!p0 $0x1  }
0x3a: {  	_ =	swait.ge @!p0 [sflag:s0], s1  }
0x3b: {  	s1 =	ssub.s32 @!p0 $0x0, s1;
	[sflag:s0] =	ssyncset.done @!p0 $0x0  }
0x3c: {  	[sflag:s0] =	ssyncadd.s32 @!p0 s1  }
0x3d: {  	[bflag:$0x3] =	sbarrier.arrive $0xFFFF  }
0x3e: {  	_ =	shalt  }

// kernel: kernel.9.cloned.1.call-start
scs
__scs_entry_jumppad:
0x0: {  	(pc) =	sbr.rel $0x88, $3  }
0x1: {  	(tag) =	ssettag $0x0;
	lr =	simm.s32 $0x1  }
0x2: {  	[smem:$0x3F99] =	sst lr;
	_ =	strace $0xD0000000  }
0x3: {  	_ = 	snop  }
0x4: {  	_ = 	snop  }
0x5: {  	_ = 	snop  }
0x6: {  	_ = 	snop  }
0x7: {  	_ = 	snop  }
__scs_overlays_trampoline_lowered:
0x8: {  	[smem:$0x3FA8] =	sst s0  }
0x9: {  	[smem:$0x3FA9] =	sst s1  }
0xa: {  	[smem:$0x3FAA] =	sst s2  }
0xb: {  	[smem:$0x3FAB] =	sst s3  }
0xc: {  	[smem:$0x3FAC] =	sst s4  }
0xd: {  	[smem:$0x3FAD] =	sst s5  }
0xe: {  	[smem:$0x3FAE] =	sst s6  }
0xf: {  	[smem:$0x3FAF] =	sst s7  }
0x10: {  	[smem:$0x3FB0] =	sst s8  }
0x11: {  	[smem:$0x3FB1] =	sst s9;
	s0 =	simm.s32 @!p0 $0x0  }
0x12: {  	s1 =	sld [smem:$0x3F97];
	s0 =	simm.s32 @p0 $0x1  }
0x13: {  	[smem:$0x3FB2] =	sst s0;
	s0 =	simm.s32 @!p1 $0x0  }
0x14: {  	s2 =	sld [smem:$0x3F96];
	s0 =	simm.s32 @p1 $0x1  }
0x15: {  	[smem:$0x3FB3] =	sst s0;
	s0 =	simm.s32 @!p2 $0x0  }
0x16: {  	s3 =	sld [smem:$0x3FDB];
	s0 =	simm.s32 @p2 $0x1  }
0x17: {  	s4 =	simm.s32 $0x1BF5;
	[smem:$0x3FB5] =	sst s0  }
0x18: {  	s0 =	sld [smem:$0x3F98];
	_ =	swait.ge [sflag:s4], $0x0  }
0x19: {  	s7 =	sld [smem:$0x3F99]  }
0x1a: {  	s8 =	sadd.s32 $0xFFFFE003, lr  }
0x1b: {  	s9 =	sadd.s32 $0xFFFFFEF7, lr;
	s5 =	simm.s32 $0xFFFFFFFF;
	p2 =	slt.u32 s8, $0xFFFFF086  }
0x1c: {  	p1 =	slt.u32 s9, $0xF7A;
	s5 =	simm.s32 @!p2 $0x0  }
0x1d: {  	s5 =	simm.s32 @p1 $0x1;
	p0 =	seq.s32 s7, s2  }
0x1e: {  	s7 =	smul.u32 @!p0 $0xF7A, s2;
	p2 =	seq.s32 @!p0 s5, $0x0  }
0x1f: {  	s9 =	smul.u32 $0xF7A, s1;
	s8 =	simm.s32 @!p0 $0x1BF5;
	p2 =	por !p2, p0  }
0x20: {  	[sflag:s8] =	ssyncset.s32 @!p0 $0xFFFFF086;
	s6 =	sadd.s32 @!p0 s3, s7;
	s7 =	simm.s32 @!p0 $0x108  }
0x21: {  	s3 =	sadd.s32 s3, s9;
	s6 =	sadd.s32 @!p0 $0x88, s6;
	s7 =	simm.s32 @p2 $0x1082  }
0x22: {  	[simem:s7], [sflag:s8] =	dma.local @!p0 [hbm:s6], $0xF7A  }
0x23: {  	s9 =	sor.u32 $0xD0000000, s2;
	s6 =	simm.s32 $0x108;
	_ =	swait.ge @!p0 [sflag:s8], $0x0  }
0x24: {  	s3 =	sadd.s32 $0x88, s3;
	s6 =	simm.s32 @!p1 $0x1082;
	[sflag:s4] =	ssyncset.s32 $0xFFFFF086  }
0x25: {  	[simem:s6], [sflag:s4] =	dma.local [hbm:s3], $0xF7A  }
0x26: {  	[smem:$0x3F99] =	sst s1;
	(tag) =	ssettag s2;
	_ =	strace s9  }
0x27: {  	s1 =	sld [smem:$0x3FA9]  }
0x28: {  	s2 =	sld [smem:$0x3FAA]  }
0x29: {  	s4 =	sld [smem:$0x3FAC]  }
0x2a: {  	p0 =	seq.s32 s5, $0x0;
	s5 =	sld [smem:$0x3FAD]  }
0x2b: {  	s6 =	sld [smem:$0x3FAE]  }
0x2c: {  	s7 =	sld [smem:$0x3FAF]  }
0x2d: {  	s3 =	simm.s32 $0x108;
	s8 =	sld [smem:$0x3FB0]  }
0x2e: {  	s3 =	simm.s32 @!p0 $0x1082;
	s9 =	sld [smem:$0x3FB1]  }
0x2f: {  	lr =	sadd.s32 s0, s3;
	s0 =	sld [smem:$0x3FA8]  }
0x30: {  	s3 =	sld [smem:$0x3FAB]  }
0x31: {  	[smem:$0x3FB4] =	sst s10  }
0x32: {  	s10 =	sld [smem:$0x3FB2];
	_ =	sdelay $0x3  }
0x33: {  	p0 =	seq.s32 s10, $0x1;
	s10 =	sld [smem:$0x3FB4];
	_ =	sdelay $0x3  }
0x34: {  	[smem:$0x3FB4] =	sst s10  }
0x35: {  	s10 =	sld [smem:$0x3FB3];
	_ =	sdelay $0x3  }
0x36: {  	p1 =	seq.s32 s10, $0x1;
	s10 =	sld [smem:$0x3FB4];
	_ =	sdelay $0x3  }
0x37: {  	[smem:$0x3FB4] =	sst s10  }
0x38: {  	s10 =	sld [smem:$0x3FB5]  }
0x39: {  	_ = 	snop;
	(pc) =	sbr.ind lr, $3  }
0x3a: {  	_ = 	snop  }
0x3b: {  	_ = 	snop  }
0x3c: {  	p2 =	seq.s32 s10, $0x1;
	s10 =	sld [smem:$0x3FB4]  }
0x3d: {  	_ =	shalt  }
0x3e: {  	_ =	shalt  }
0x3f: {  	_ =	shalt  }
0x40: {  	_ =	shalt  }
0x41: {  	_ =	shalt  }
0x42: {  	_ =	shalt  }
0x43: {  	_ =	shalt  }
0x44: {  	_ =	shalt  }
0x45: {  	_ =	shalt  }
0x46: {  	_ =	shalt  }
0x47: {  	_ =	shalt  }
0x48: {  	_ =	shalt  }
0x49: {  	_ =	shalt  }
0x4a: {  	_ =	shalt  }
0x4b: {  	_ =	shalt  }
0x4c: {  	_ =	shalt  }
0x4d: {  	_ =	shalt  }
0x4e: {  	_ =	shalt  }
0x4f: {  	_ =	shalt  }
0x50: {  	_ =	shalt  }
0x51: {  	_ =	shalt  }
0x52: {  	_ =	shalt  }
0x53: {  	_ =	shalt  }
0x54: {  	_ =	shalt  }
0x55: {  	_ =	shalt  }
0x56: {  	_ =	shalt  }
0x57: {  	_ =	shalt  }
0x58: {  	_ =	shalt  }
0x59: {  	_ =	shalt  }
0x5a: {  	_ =	shalt  }
0x5b: {  	_ =	shalt  }
0x5c: {  	_ =	shalt  }
0x5d: {  	_ =	shalt  }
0x5e: {  	_ =	shalt  }
0x5f: {  	_ =	shalt  }
0x60: {  	_ =	shalt  }
0x61: {  	_ =	shalt  }
0x62: {  	_ =	shalt  }
0x63: {  	_ =	shalt  }
0x64: {  	_ =	shalt  }
0x65: {  	_ =	shalt  }
0x66: {  	_ =	shalt  }
0x67: {  	_ =	shalt  }
0x68: {  	_ =	shalt  }
0x69: {  	_ =	shalt  }
0x6a: {  	_ =	shalt  }
0x6b: {  	_ =	shalt  }
0x6c: {  	_ =	shalt  }
0x6d: {  	_ =	shalt  }
0x6e: {  	_ =	shalt  }
0x6f: {  	_ =	shalt  }
0x70: {  	_ =	shalt  }
0x71: {  	_ =	shalt  }
0x72: {  	_ =	shalt  }
0x73: {  	_ =	shalt  }
0x74: {  	_ =	shalt  }
0x75: {  	_ =	shalt  }
0x76: {  	_ =	shalt  }
0x77: {  	_ =	shalt  }
0x78: {  	_ =	shalt  }
0x79: {  	_ =	shalt  }
0x7a: {  	_ =	shalt  }
0x7b: {  	_ =	shalt  }
0x7c: {  	_ =	shalt  }
0x7d: {  	_ =	shalt  }
0x7e: {  	_ =	shalt  }
0x7f: {  	_ =	shalt  }
0x80: {  	_ =	shalt  }
0x81: {  	_ =	shalt  }
0x82: {  	_ =	shalt  }
0x83: {  	_ =	shalt  }
0x84: {  	_ =	shalt  }
0x85: {  	_ =	shalt  }
0x86: {  	_ =	shalt  }
0x87: {  	_ =	shalt  }
.Lfunc_end0:
.L_simem_size_0:
called_computation.1_lowered:
.L_overlay_start_0:
0x88: {  	s2 =	sld [smem:$0x3FD9]  }
0x89: {  	s3 =	sld [smem:$0x3FFE];
	_ =	sdelay $0x1  }
0x8a: {  	s1 =	srdreg.scid  }
0x8b: {  	s0 =	sand.u32 $0x1, s1  }
0x8c: {  	s17 =	sshll.u32 s0, $0xA;
	s2 =	sadd.s32 s3, s2  }
0x8d: {  	s2 =	sadd.s32 s2, s17  }
0x8e: {  	[smem:$0x3FC0] =	sst s2  }
0x8f: {  	_ = 	snop  }
0x90: {  	s2 =	sld [smem:$0x3FD0];
	(tm) =	ssettm $0x1  }
0x91: {  	s18 =	sld [smem:$0x3FFB];
	_ =	sdelay $0x3  }
0x92: {  	_ =	strace s18  }
0x93: {  	s3 =	sld [smem:$0x3FFC];
	_ =	sdelay $0x3  }
0x94: {  	_ =	strace s3  }
0x95: {  	s3 =	sld [smem:$0x3FFD];
	_ =	sdelay $0x3  }
0x96: {  	_ =	strace s3  }
0x97: {  	_ =	strace $0x8FFFFFFF  }
0x98: {  	s19 =	sld [smem:$0x3FDB];
	_ =	sdelay $0x1  }
0x99: {  	s4 =	simm.s32 $_scs_section_size  }
0x9a: {  	s5 =	simm.s32 $_size__tile_overlayer_lowered;
	s6 =	simm.s32 $_tile_overlayer_lowered  }
0x9b: {  	s22 =	simm.s32 $0x1BFF;
	s21 =	sshll.u32 s6, $0x1;
	s3 =	sadd.s32 s4, s19  }
0x9c: {  	s7 =	simm.s32 $0x0;
	s20 =	sshll.u32 s5, $0x1;
	s5 =	sadd.s32 s21, s3  }
0x9d: {  	[timem:s7], [sflag:s22] =	dma.local [hbm:s5], s20  }
0x9e: {  	_ =	swait.ge [sflag:s22], s20  }
0x9f: {  	s4 =	ssub.s32 $0x0, s20;
	[sflag:s22] =	ssyncset.done $0x0  }
0xa0: {  	[sflag:s22] =	ssyncadd.s32 s4;
	_ =	sdelay $0x1  }
0xa1: {  	s23 =	simm.s32 $0x1B8B  }
0xa2: {  	_ =	swait.ge [sflag:s23], $0x1  }
0xa3: {  	[sflag:s23] =	ssyncset.done $0x0  }
0xa4: {  	s25 =	simm.s32 $0x1B8E;
	s24 =	sld [smem:$0x3FFE];
	[sflag:s23] =	ssyncadd.s32 $0xFFFFFFFF  }
0xa5: {  	s26 =	simm.s32 $execute0_lowered;
	[smem:$0x3FD2] =	sst s25  }
0xa6: {  	s5 =	sshll.u32 s26, $0x1;
	_ =	strace $0x80000049;
	[dreg:$0x1] =	wrdreg $0xFFFFFFFF  }
0xa7: {  	s28 =	simm.s32 $_size_execute0_lowered;
	s3 =	sadd.s32 s3, s5;
	[dreg:$0x0] =	wrdreg $0x0  }
0xa8: {  	s5 =	sshll.u32 s28, $0x1;
	[dreg:$0x2] =	wrdreg s3  }
0xa9: {  	[dreg:$0x3] =	wrdreg s5  }
0xaa: {  	[dreg:$0x4] =	wrdreg $0xC0  }
0xab: {  	_ =	task [dreg:s7], $0x5FFFF  }
0xac: {  	[dreg:$0x1] =	wrdreg $0xFFFFFFFF  }
0xad: {  	[dreg:$0x0] =	wrdreg $0x60  }
0xae: {  	[dreg:$0x2] =	wrdreg s2  }
0xaf: {  	[dreg:$0x3] =	wrdreg s24  }
0xb0: {  	[dreg:$0x4] =	wrdreg $0xFF800  }
0xb1: {  	[dreg:$0x5] =	wrdreg $0x9  }
0xb2: {  	_ =	task.clear_ibuf [dreg:s7], $0x6FFFF;
	_ =	strace $0x90000049  }
0xb3: {  	s29 =	simm.s32 $0x9;
	_ =	strace $0x8000004B  }
0xb4: {  	_ =	swait.ge [sflag:s29], $0x1  }
0xb5: {  	[sflag:s29] =	ssyncadd.s32 $0xFFFFFFFF  }
0xb6: {  	_ =	strace $0x9000004B  }
0xb7: {  	_ =	sfence  }
0xb8: {  	s30 =	sld [smem:$0x0];
	_ =	sdelay $0x2  }
0xb9: {  	s31 =	sshll.u32 s1, $0xD;
	s1 =	sshrl.u32 s1, $0x2  }
0xba: {  	s3 =	sand.u32 $0x4000, s31;
	s1 =	sadd.s32 s1, s30  }
0xbb: {  	s0 =	sor.u32 s3, s0;
	s1 =	sshll.u32 s1, $0x11  }
0xbc: {  	s0 =	sor.u32 s1, s0  }
0xbd: {  	s0 =	sadd.s32 $0x8F2B, s0  }
0xbe: {  	[sflag:s0] =	ssyncadd.remote.s32 $0x1  }
0xbf: {  	_ =	sfence.sel $0xFFFF  }
0xc0: {  	[dreg:$0x0] =	wrdreg $0xFFFFFFFF;
	(pc) =	sbr.abs _section_cstart, $3  }
0xc1: {  	[dreg:$0x1] =	wrdreg $0xFFFFFFFF  }
0xc2: {  	_ =	task.clear_ibuf [dreg:s7], $0x2FFFF;
	_ =	strace $0x9FFFFFFF  }
0xc3: {  	(tm) =	ssettm $0x7FFFFFFF  }
tec
execute0_lowered:
.L_overlay_start_1:
0x0: {  	(tag) =	ssettag $0x1  }
0x1: {  	s1 =	rddreg [dreg:$0x0]  }
0x2: {  	s6 =	rddreg [dreg:$0x1]  }
0x3: {  	s3 =	rddreg [dreg:$0x2];
	s4 =	simm.s32 $0x0;
	s2 =	stileid.u32  }
0x4: {  	s5 =	srdreg.scid;
	s22 =	simm.s32 $0x7D;
	s23 =	simm.s32 $0xA100  }
0x5: {  	s24 =	simm.s32 $0x80;
	s25 =	simm.s32 $0xC040;
	s26 =	simm.s32 $0x1  }
0x6: {  	s28 =	simm.s32 $0x2;
	s29 =	simm.s32 $0x0;
	s7 =	smul.u32 $0xA20, s2  }
0x7: {  	[smem:$0x7FF] =	sst s4;
	s13 =	sand.u32 $0x1, s5;
	s8 =	smul.u32 $0xA00, s2  }
0x8: {  	s5 =	sadd.s32 $0x1800, s6;
	s12 =	smul.u32 $0xA000, s2;
	s17 =	sadd.s32 $0x29600, s6  }
0x9: {  	_ =	strace $0x8000004A;
	s9 =	ssub.s32 $0x2, s13;
	s16 =	smul.u32 $0xA0000, s13  }
0xa: {  	p0 =	seq.s32 s13, $0x1;
	s7 =	sadd.s32 s7, s6;
	s10 =	sshrl.u32 s9, $0x1  }
0xb: {  	s8 =	sadd.s32 s8, s6;
	s14 =	sadd.s32 $0x2000, s12;
	s15 =	sadd.s32 $0x4000, s12  }
0xc: {  	s19 =	sadd.s32 $0x6000, s12;
	s20 =	sadd.s32 $0x8000, s12;
	s18 =	ssub.s32 s9, s10  }
0xd: {  	s6 =	sadd.s32 $0x1F400, s7;
	s7 =	sadd.s32 $0x15400, s8;
	s8 =	sadd.s32 s12, s3  }
0xe: {  	s9 =	sadd.s32 s14, s3;
	s10 =	sadd.s32 s15, s3;
	s11 =	sadd.s32 s19, s3  }
0xf: {  	s21 =	sadd.s32 s12, s16;
	s12 =	sadd.s32 s20, s3;
	s14 =	sadd.s32 s16, s14  }
0x10: {  	s15 =	sadd.s32 s16, s15;
	s19 =	sadd.s32 s16, s19;
	s20 =	sadd.s32 s16, s20  }
.Ltmp0:
0x11: {  	s21 =	sshrl.u32 s21, $0x3;
	s14 =	sshrl.u32 s14, $0x3;
	(pc) =	sbr.rel .LBB2_1-.Ltmp0, $4  }
0x12: {  	s15 =	sshrl.u32 s15, $0x3;
	s19 =	sshrl.u32 s19, $0x3;
	s31 =	sshrl.u32 s20, $0x3  }
0x13: {  	s18 =	smax.u32 s18, $0x1;
	s20 =	simm.s32 $0x5100;
	s13 =	sadd.s32 s17, s21  }
0x14: {  	s14 =	sadd.s32 s17, s14;
	s15 =	sadd.s32 s17, s15;
	s16 =	sadd.s32 s17, s19  }
0x15: {  	v0 =	vimm.f32 $0.0e+00;
	s17 =	sadd.s32 s17, s31;
	s19 =	simm.s32 $0x3;
	s21 =	simm.s32 $0xDF80  }
.LBB2_6:
0x16: {  	[tilespmem:s25], [sflag:$0x2] =	stream.indirect.gather [hbm4b:s1+s22], $0x40, s31, s22, $0xb8;
	[tilespmem:$0x19F80] =	vst v63  }
.LBB2_10:
0x17: {  	_ =	swait.ge [sflag:s26], $0x1F40  }
0x18: {  	[sflag:s26] =	ssyncset.done $0x0  }
0x19: {  	[sflag:s26] =	ssyncadd.s32 $0xFFFFE0C0  }
0x1a: {  	_ =	swait.ge [sflag:s28], $0x1F40  }
0x1b: {  	[sflag:s28] =	ssyncset.done $0x0  }
0x1c: {  	[sflag:s28] =	ssyncadd.s32 $0xFFFFE0C0  }
0x1d: {  	[bflag:$0x0] =	sbarrier.arrive $0xFFFF  }
0x1e: {  	[tilespmem:s21], [sflag:$0x3] =	stream.linear.gather [spmem:s8], $0x2000, $0x38;
	[tilespmem:$0x19F80] =	vst v63  }
0x1f: {  	_ =	swait.ge [sflag:s19], $0x2000  }
0x20: {  	[sflag:s19] =	ssyncset.done $0x0  }
0x21: {  	[sflag:s19] =	ssyncadd.s32 $0xFFFFE000  }
0x22: {  	[hbm4b:s13+s4] =	stream.linear.scatter [tilespmem:s21], [sflag:$0x3], $0x2000, $0x38;
	[tilespmem:$0x19F80] =	vst v63  }
0x23: {  	_ =	swait.ge [sflag:s19], $0x2000  }
0x24: {  	[sflag:s19] =	ssyncset.done $0x0  }
0x25: {  	[sflag:s19] =	ssyncadd.s32 $0xFFFFE000  }
0x26: {  	[tilespmem:s21], [sflag:$0x3] =	stream.linear.gather [spmem:s9], $0x2000, $0x38;
	[tilespmem:$0x19F80] =	vst v63  }
0x27: {  	_ =	swait.ge [sflag:s19], $0x2000  }
0x28: {  	[sflag:s19] =	ssyncset.done $0x0  }
0x29: {  	[sflag:s19] =	ssyncadd.s32 $0xFFFFE000  }
0x2a: {  	[hbm4b:s14+s4] =	stream.linear.scatter [tilespmem:s21], [sflag:$0x3], $0x2000, $0x38;
	[tilespmem:$0x19F80] =	vst v63  }
0x2b: {  	_ =	swait.ge [sflag:s19], $0x2000  }
0x2c: {  	[sflag:s19] =	ssyncset.done $0x0  }
0x2d: {  	[sflag:s19] =	ssyncadd.s32 $0xFFFFE000  }
0x2e: {  	[tilespmem:s21], [sflag:$0x3] =	stream.linear.gather [spmem:s10], $0x2000, $0x38;
	[tilespmem:$0x19F80] =	vst v63  }
0x2f: {  	_ =	swait.ge [sflag:s19], $0x2000  }
0x30: {  	[sflag:s19] =	ssyncset.done $0x0  }
0x31: {  	[sflag:s19] =	ssyncadd.s32 $0xFFFFE000  }
0x32: {  	[hbm4b:s15+s4] =	stream.linear.scatter [tilespmem:s21], [sflag:$0x3], $0x2000, $0x38;
	[tilespmem:$0x19F80] =	vst v63  }
0x33: {  	_ =	swait.ge [sflag:s19], $0x2000  }
0x34: {  	[sflag:s19] =	ssyncset.done $0x0  }
0x35: {  	[sflag:s19] =	ssyncadd.s32 $0xFFFFE000  }
0x36: {  	[tilespmem:s21], [sflag:$0x3] =	stream.linear.gather [spmem:s11], $0x2000, $0x38;
	[tilespmem:$0x19F80] =	vst v63  }
0x37: {  	_ =	swait.ge [sflag:s19], $0x2000  }
0x38: {  	[sflag:s19] =	ssyncset.done $0x0  }
0x39: {  	[sflag:s19] =	ssyncadd.s32 $0xFFFFE000  }
0x3a: {  	[hbm4b:s16+s4] =	stream.linear.scatter [tilespmem:s21], [sflag:$0x3], $0x2000, $0x38;
	[tilespmem:$0x19F80] =	vst v63  }
0x3b: {  	_ =	swait.ge [sflag:s19], $0x2000  }
0x3c: {  	[sflag:s19] =	ssyncset.done $0x0  }
0x3d: {  	[sflag:s19] =	ssyncadd.s32 $0xFFFFE000  }
0x3e: {  	[tilespmem:s21], [sflag:$0x3] =	stream.linear.gather [spmem:s12], $0x2000, $0x38;
	[tilespmem:$0x19F80] =	vst v63  }
0x3f: {  	s29 =	sadd.s32 $0x1, s29;
	_ =	swait.ge [sflag:s19], $0x2000  }
0x40: {  	p1 =	sne.s32 s29, s18;
	[sflag:s19] =	ssyncset.done $0x0  }
.Ltmp1:
0x41: {  	[sflag:s19] =	ssyncadd.s32 $0xFFFFE000;
	(pc) =	sbr.rel @!p1 .LBB2_11-.Ltmp1, $4  }
0x42: {  	[hbm4b:s17+s4] =	stream.linear.scatter [tilespmem:s21], [sflag:$0x3], $0x2000, $0x38;
	[tilespmem:$0x19F80] =	vst v63  }
0x43: {  	_ =	swait.ge [sflag:s19], $0x2000  }
0x44: {  	[sflag:s19] =	ssyncset.done $0x0  }
0x45: {  	[sflag:s19] =	ssyncadd.s32 $0xFFFFE000  }
.LBB2_1:
0x46: {  	[tilespmem:s4], [sflag:$0x3] =	stream.linear.gather [hbm4b:s6+s4], $0x5100, $0x38;
	[tilespmem:$0x19F80] =	vst v63  }
0x47: {  	_ =	swait.ge [sflag:s19], $0x5100  }
0x48: {  	[sflag:s19] =	ssyncset.done $0x0  }
0x49: {  	[sflag:s19] =	ssyncadd.s32 $0xFFFFAF00  }
0x4a: {  	[tilespmem:s20], [sflag:$0x3] =	stream.linear.gather [hbm4b:s7+s4], $0x5000, $0x38;
	[tilespmem:$0x19F80] =	vst v63  }
0x4b: {  	_ =	swait.ge [sflag:s19], $0x5000  }
0x4c: {  	[sflag:s19] =	ssyncset.done $0x0  }
0x4d: {  	s31 =	simm.s32 $0x100;
	s30 =	simm.s32 $0x0;
	[sflag:s19] =	ssyncadd.s32 $0xFFFFB000  }
.LBB2_2:
0x4e: {  	p1 =	sne.s32 s31, $0x7F00;
	[tilespmem:s30+$0xDFB0] =	vst v0;
	s0 =	smov.u32 s31;
	s31 =	sadd.s32 $0x100, s31  }
.Ltmp2:
0x4f: {  	[tilespmem:s30+$0xDFA0] =	vst v0;
	(pc) =	sbr.rel @p1 .LBB2_2-.Ltmp2, $3  }
0x50: {  	[tilespmem:s30+$0xDF80] =	vst v0  }
0x51: {  	[tilespmem:s30+$0xDF90] =	vst v0;
	_ =	sdelay $0x1  }
0x52: {  	s30 =	sshra.s32 s0, $0x2  }
0x53: {  	[tilespmem:s30+$0xDFB0] =	vst v0  }
0x54: {  	[tilespmem:s30+$0xDFA0] =	vst v0  }
0x55: {  	[tilespmem:s30+$0xDF80] =	vst v0  }
0x56: {  	[tilespmem:s30+$0xDF90] =	vst v0  }
0x57: {  	[spmem:s8] =	stream.linear.scatter [tilespmem:s21], [sflag:$0x3], $0x2000, $0x38;
	[tilespmem:$0x19F80] =	vst v63  }
0x58: {  	_ =	swait.ge [sflag:s19], $0x2000  }
0x59: {  	[sflag:s19] =	ssyncset.done $0x0  }
0x5a: {  	[sflag:s19] =	ssyncadd.s32 $0xFFFFE000  }
0x5b: {  	[spmem:s9] =	stream.linear.scatter [tilespmem:s21], [sflag:$0x3], $0x2000, $0x38;
	[tilespmem:$0x19F80] =	vst v63  }
0x5c: {  	_ =	swait.ge [sflag:s19], $0x2000  }
0x5d: {  	[sflag:s19] =	ssyncset.done $0x0  }
0x5e: {  	[sflag:s19] =	ssyncadd.s32 $0xFFFFE000  }
0x5f: {  	[spmem:s10] =	stream.linear.scatter [tilespmem:s21], [sflag:$0x3], $0x2000, $0x38;
	[tilespmem:$0x19F80] =	vst v63  }
0x60: {  	_ =	swait.ge [sflag:s19], $0x2000  }
0x61: {  	[sflag:s19] =	ssyncset.done $0x0  }
0x62: {  	[sflag:s19] =	ssyncadd.s32 $0xFFFFE000  }
0x63: {  	[spmem:s11] =	stream.linear.scatter [tilespmem:s21], [sflag:$0x3], $0x2000, $0x38;
	[tilespmem:$0x19F80] =	vst v63  }
0x64: {  	_ =	swait.ge [sflag:s19], $0x2000  }
0x65: {  	[sflag:s19] =	ssyncset.done $0x0  }
0x66: {  	[sflag:s19] =	ssyncadd.s32 $0xFFFFE000  }
0x67: {  	[spmem:s12] =	stream.linear.scatter [tilespmem:s21], [sflag:$0x3], $0x2000, $0x38;
	[tilespmem:$0x19F80] =	vst v63  }
.Ltmp3:
0x68: {  	_ =	swait.ge [sflag:s19], $0x2000;
	(pc) =	sbr.rel @!p0 .LBB2_4-.Ltmp3, $4  }
0x69: {  	[sflag:s19] =	ssyncset.done $0x0  }
0x6a: {  	[sflag:s19] =	ssyncadd.s32 $0xFFFFE000  }
0x6b: {  	[bflag:$0x0] =	sbarrier.arrive $0xFFFF  }
0x6c: {  	s0 =	simm.s32 $0x0  }
0x6d: {  	[tilespmem:s23], [sflag:$0x1] =	stream.indirect.gather [hbm4b:s5+s22], $0x40, s0, s22, $0xb8;
	[tilespmem:$0x19F80] =	vst v63  }
0x6e: {  	_ = 	snop  }
0x6f: {  	[tilespmem:s25], [sflag:$0x2] =	stream.indirect.gather [hbm4b:s5+s22], $0x40, s24, s22, $0xb8;
	[tilespmem:$0x19F80] =	vst v63  }
0x70: {  	_ =	swait.ge [sflag:s26], $0x1F40  }
0x71: {  	[sflag:s26] =	ssyncset.done $0x0  }
0x72: {  	s0 =	simm.s32 $0x5100;
	[sflag:s26] =	ssyncadd.s32 $0xFFFFE0C0  }
0x73: {  	[spmem:s3] =	stream.indirect.scatter.add.f32 [tilespmem:s23], [sflag:$0x3], $0x40, s0, s22, $0xb8;
	[tilespmem:$0x19F80] =	vst v63  }
0x74: {  	_ =	swait.ge [sflag:s19], $0x1F40  }
0x75: {  	[sflag:s19] =	ssyncset.done $0x0  }
0x76: {  	s0 =	simm.s32 $0x100;
	[sflag:s19] =	ssyncadd.s32 $0xFFFFE0C0  }
0x77: {  	[tilespmem:s23], [sflag:$0x1] =	stream.indirect.gather [hbm4b:s5+s22], $0x40, s0, s22, $0xb8;
	[tilespmem:$0x19F80] =	vst v63  }
0x78: {  	_ =	swait.ge [sflag:s28], $0x1F40  }
0x79: {  	[sflag:s28] =	ssyncset.done $0x0  }
0x7a: {  	s0 =	simm.s32 $0x5180;
	[sflag:s28] =	ssyncadd.s32 $0xFFFFE0C0  }
0x7b: {  	[spmem:s3] =	stream.indirect.scatter.add.f32 [tilespmem:s25], [sflag:$0x3], $0x40, s0, s22, $0xb8;
	[tilespmem:$0x19F80] =	vst v63  }
0x7c: {  	_ =	swait.ge [sflag:s19], $0x1F40  }
0x7d: {  	[sflag:s19] =	ssyncset.done $0x0  }
0x7e: {  	s30 =	simm.s32 $0x400;
	s31 =	simm.s32 $0x180;
	[sflag:s19] =	ssyncadd.s32 $0xFFFFE0C0  }
.LBB2_8:
0x7f: {  	[tilespmem:s25], [sflag:$0x2] =	stream.indirect.gather [hbm4b:s5+s22], $0x40, s31, s22, $0xb8;
	[tilespmem:$0x19F80] =	vst v63  }
0x80: {  	s0 =	smov.u32 s30  }
0x81: {  	p1 =	sne.s32 s30, $0x13C00;
	s30 =	sadd.s32 $0x400, s30;
	_ =	swait.ge [sflag:s26], $0x1F40  }
0x82: {  	s0 =	sshra.s32 s0, $0x2;
	[sflag:s26] =	ssyncset.done $0x0  }
0x83: {  	s31 =	sadd.s32 $0x5100, s0;
	[sflag:s26] =	ssyncadd.s32 $0xFFFFE0C0  }
0x84: {  	[spmem:s3] =	stream.indirect.scatter.add.f32 [tilespmem:s23], [sflag:$0x3], $0x40, s31, s22, $0xb8;
	[tilespmem:$0x19F80] =	vst v63  }
0x85: {  	_ =	swait.ge [sflag:s19], $0x1F40  }
0x86: {  	[sflag:s19] =	ssyncset.done $0x0  }
0x87: {  	s31 =	sadd.s32 $0x100, s0;
	[sflag:s19] =	ssyncadd.s32 $0xFFFFE0C0  }
0x88: {  	[tilespmem:s23], [sflag:$0x1] =	stream.indirect.gather [hbm4b:s5+s22], $0x40, s31, s22, $0xb8;
	[tilespmem:$0x19F80] =	vst v63  }
0x89: {  	_ =	swait.ge [sflag:s28], $0x1F40  }
0x8a: {  	[sflag:s28] =	ssyncset.done $0x0  }
.Ltmp4:
0x8b: {  	s31 =	sadd.s32 $0x5180, s0;
	[sflag:s28] =	ssyncadd.s32 $0xFFFFE0C0;
	(pc) =	sbr.rel @p1 .LBB2_8-.Ltmp4, $4  }
0x8c: {  	[spmem:s3] =	stream.indirect.scatter.add.f32 [tilespmem:s25], [sflag:$0x3], $0x40, s31, s22, $0xb8;
	[tilespmem:$0x19F80] =	vst v63  }
0x8d: {  	_ =	swait.ge [sflag:s19], $0x1F40  }
0x8e: {  	[sflag:s19] =	ssyncset.done $0x0  }
0x8f: {  	s31 =	sadd.s32 $0x180, s0;
	[sflag:s19] =	ssyncadd.s32 $0xFFFFE0C0  }
.Ltmp5:
0x90: {  	(pc) =	sbr.rel .LBB2_10-.Ltmp5, $2  }
0x91: {  	_ =	sdelay $0x2  }
0x92: {  	[tilespmem:s25], [sflag:$0x2] =	stream.indirect.gather [hbm4b:s5+s22], $0x40, s31, s22, $0xb8;
	[tilespmem:$0x19F80] =	vst v63  }
.LBB2_4:
0x93: {  	[tilespmem:s23], [sflag:$0x1] =	stream.indirect.gather [hbm4b:s1+s22], $0x40, s0, s22, $0xb8;
	[tilespmem:$0x19F80] =	vst v63  }
0x94: {  	_ = 	snop  }
0x95: {  	[tilespmem:s25], [sflag:$0x2] =	stream.indirect.gather [hbm4b:s1+s22], $0x40, s24, s22, $0xb8;
	[tilespmem:$0x19F80] =	vst v63  }
0x96: {  	_ =	swait.ge [sflag:s26], $0x1F40  }
0x97: {  	[sflag:s26] =	ssyncset.done $0x0  }
0x98: {  	s0 =	simm.s32 $0x5100;
	[sflag:s26] =	ssyncadd.s32 $0xFFFFE0C0  }
0x99: {  	[spmem:s3] =	stream.indirect.scatter.add.f32 [tilespmem:s23], [sflag:$0x3], $0x40, s0, s22, $0xb8;
	[tilespmem:$0x19F80] =	vst v63  }
0x9a: {  	_ =	swait.ge [sflag:s19], $0x1F40  }
0x9b: {  	[sflag:s19] =	ssyncset.done $0x0  }
0x9c: {  	s0 =	simm.s32 $0x100;
	[sflag:s19] =	ssyncadd.s32 $0xFFFFE0C0  }
0x9d: {  	[tilespmem:s23], [sflag:$0x1] =	stream.indirect.gather [hbm4b:s1+s22], $0x40, s0, s22, $0xb8;
	[tilespmem:$0x19F80] =	vst v63  }
0x9e: {  	_ =	swait.ge [sflag:s28], $0x1F40  }
0x9f: {  	[sflag:s28] =	ssyncset.done $0x0  }
0xa0: {  	s0 =	simm.s32 $0x5180;
	[sflag:s28] =	ssyncadd.s32 $0xFFFFE0C0  }
0xa1: {  	[spmem:s3] =	stream.indirect.scatter.add.f32 [tilespmem:s25], [sflag:$0x3], $0x40, s0, s22, $0xb8;
	[tilespmem:$0x19F80] =	vst v63  }
0xa2: {  	_ =	swait.ge [sflag:s19], $0x1F40  }
0xa3: {  	[sflag:s19] =	ssyncset.done $0x0  }
0xa4: {  	s30 =	simm.s32 $0x400;
	s31 =	simm.s32 $0x180;
	[sflag:s19] =	ssyncadd.s32 $0xFFFFE0C0  }
.LBB2_5:
0xa5: {  	[tilespmem:s25], [sflag:$0x2] =	stream.indirect.gather [hbm4b:s1+s22], $0x40, s31, s22, $0xb8;
	[tilespmem:$0x19F80] =	vst v63  }
0xa6: {  	s0 =	smov.u32 s30  }
0xa7: {  	p1 =	seq.s32 s30, $0x13C00;
	s30 =	sadd.s32 $0x400, s30;
	_ =	swait.ge [sflag:s26], $0x1F40  }
0xa8: {  	s0 =	sshra.s32 s0, $0x2;
	[sflag:s26] =	ssyncset.done $0x0  }
0xa9: {  	s31 =	sadd.s32 $0x5100, s0;
	[sflag:s26] =	ssyncadd.s32 $0xFFFFE0C0  }
0xaa: {  	[spmem:s3] =	stream.indirect.scatter.add.f32 [tilespmem:s23], [sflag:$0x3], $0x40, s31, s22, $0xb8;
	[tilespmem:$0x19F80] =	vst v63  }
0xab: {  	_ =	swait.ge [sflag:s19], $0x1F40  }
0xac: {  	[sflag:s19] =	ssyncset.done $0x0  }
0xad: {  	s31 =	sadd.s32 $0x100, s0;
	[sflag:s19] =	ssyncadd.s32 $0xFFFFE0C0  }
0xae: {  	[tilespmem:s23], [sflag:$0x1] =	stream.indirect.gather [hbm4b:s1+s22], $0x40, s31, s22, $0xb8;
	[tilespmem:$0x19F80] =	vst v63  }
0xaf: {  	_ =	swait.ge [sflag:s28], $0x1F40  }
0xb0: {  	[sflag:s28] =	ssyncset.done $0x0  }
.Ltmp6:
0xb1: {  	s31 =	sadd.s32 $0x5180, s0;
	[sflag:s28] =	ssyncadd.s32 $0xFFFFE0C0;
	(pc) =	sbr.rel @!p1 .LBB2_5-.Ltmp6, $4  }
0xb2: {  	[spmem:s3] =	stream.indirect.scatter.add.f32 [tilespmem:s25], [sflag:$0x3], $0x40, s31, s22, $0xb8;
	[tilespmem:$0x19F80] =	vst v63  }
0xb3: {  	_ =	swait.ge [sflag:s19], $0x1F40  }
0xb4: {  	[sflag:s19] =	ssyncset.done $0x0  }
0xb5: {  	s31 =	sadd.s32 $0x180, s0;
	[sflag:s19] =	ssyncadd.s32 $0xFFFFE0C0  }
.Ltmp7:
0xb6: {  	_ = 	snop;
	(pc) =	sbr.rel .LBB2_6-.Ltmp7, $1  }
0xb7: {  	_ =	sdelay $0x3  }
.LBB2_11:
0xb8: {  	_ =	sfence.sel $0x180000  }
0xb9: {  	[bflag:$0x0] =	sbarrier.arrive $0xFFFF  }
0xba: {  	_ =	strace $0x9000004A  }
0xbb: {  	[bflag:$0x2] =	sbarrier.arrive $0xFFFF  }
0xbc: {  	p0 =	sne.s32 s2, $0x0;
	s0 =	rddreg [dreg:$0x3]  }
0xbd: {  	s0 =	sadd.s32 @!p0 $0x100000, s0  }
0xbe: {  	[sflag:s0] =	ssyncadd.tile.s32 @!p0 $0x1;
	_ =	shalt  }
.Lfunc_end2:
_tile_overlayer_lowered:
.L_overlay_start_2:
0xbf: {  	(tag) =	ssettag $0x2  }
0xc0: {  	s0 =	rddreg [dreg:$0x0];
	s2 =	stileid.u32  }
0xc1: {  	s1 =	rddreg [dreg:$0x1];
	p0 =	sne.s32 s2, $0x0  }
0xc2: {  	s3 =	rddreg [dreg:$0x2];
	[bflag:$0x3] =	sbarrier.arrive $0xFFFF;
	s2 =	simm.s32 @!p0 $0x1C03  }
0xc3: {  	[timem:s3], [sflag:s2] =	dma.local @!p0 [hbm:s0], s1  }
0xc4: {  	s0 =	simm.s32 @!p0 $0x3  }
0xc5: {  	_ =	swait.ge @!p0 [sflag:s0], s1  }
0xc6: {  	s1 =	ssub.s32 @!p0 $0x0, s1;
	[sflag:s0] =	ssyncset.done @!p0 $0x0  }
0xc7: {  	[sflag:s0] =	ssyncadd.s32 @!p0 s1  }
0xc8: {  	[bflag:$0x3] =	sbarrier.arrive $0xFFFF  }
0xc9: {  	_ =	shalt  }

</sc_bundles>
